<compile_context>
chip_gen: v7x
topology: tpu7x:2x2x1
jax: 0.10.2.dev20260603
libtpu: 0.0.44.dev20260713+nightly
codegen_flags: <defaults>
</compile_context>

<pallas_src>
import functools

import jax
import jax.numpy as jnp
from jax import lax
from jax.experimental import pallas as pl
from jax.experimental.pallas import tpu as pltpu
from jax.experimental.pallas import tpu_sc as plsc

N = 10000
E = 320000
D = 128
NPAD = 10112
K = 128
G = 8
NG = 10
CPT = G * NG
TPT = K * CPT
NW = 32
EPAD = TPT * NW
ROWS_PER_TILE = NPAD // 16
R = 2000
GRID = N // R


def _make_sc_agg(want_deg: bool):
    mesh = plsc.VectorSubcoreMesh(core_axis_name="c", subcore_axis_name="s")
    outs = [jax.ShapeDtypeStruct((2, NPAD, D), jnp.float32)]
    scratch = [
        pltpu.VMEM((G, K), jnp.int32),
        pltpu.VMEM((G, K), jnp.int32),
        pltpu.VMEM((K, D), jnp.float32),
        pltpu.VMEM((K, D), jnp.float32),
        pltpu.VMEM_SHARED((NPAD, D), jnp.float32),
        pltpu.SemaphoreType.DMA,
        pltpu.SemaphoreType.DMA,
        pltpu.SemaphoreType.DMA,
        pltpu.SemaphoreType.DMA,
    ]
    if want_deg:
        outs.append(jax.ShapeDtypeStruct((NW, NPAD), jnp.float32))
        scratch += [
            pltpu.VMEM((NPAD,), jnp.float32),
        ]

    @functools.partial(pl.kernel, out_type=outs, mesh=mesh,
                       compiler_params=pltpu.CompilerParams(
                           needs_layout_passes=False),
                       scratch_types=scratch)
    def sc_agg(*refs):
        if want_deg:
            (x_hbm, src_hbm, dst_hbm, z128_hbm,
             agg_out, deg_out, src_g, dst_g, rows0, rows1, agg_sh,
             gsem0, gsem1, ssem0, ssem1, deg_v) = refs
        else:
            (x_hbm, src_hbm, dst_hbm, z128_hbm,
             agg_out, src_g, dst_g, rows0, rows1, agg_sh,
             gsem0, gsem1, ssem0, ssem1) = refs
        rows = (rows0, rows1)
        gsem = (gsem0, gsem1)
        ssem = (ssem0, ssem1)
        c = lax.axis_index("c")
        s = lax.axis_index("s")
        w = c * 16 + s
        r0 = s * ROWS_PER_TILE
        pltpu.sync_copy(z128_hbm.at[pl.ds(r0, ROWS_PER_TILE)],
                        agg_sh.at[pl.ds(r0, ROWS_PER_TILE)])
        if want_deg:
            def zero(i, carry):
                deg_v[pl.ds(i * 16, 16)] = jnp.zeros((16,), jnp.float32)
                return carry

            lax.fori_loop(0, NPAD // 16, zero, 0)
        plsc.subcore_barrier()

        def group(g, carry):
            gi = w * NG + g
            pltpu.sync_copy(src_hbm.at[gi], src_g)
            pltpu.sync_copy(dst_hbm.at[gi], dst_g)
            handles = [None, None]
            handles[0] = pltpu.async_copy(x_hbm.at[src_g.at[0]], rows[0],
                                          gsem[0])
            for jj in range(G):
                b = jj % 2
                handles[b].wait()
                if jj + 1 < G:
                    nb = (jj + 1) % 2
                    handles[nb] = pltpu.async_copy(
                        x_hbm.at[src_g.at[jj + 1]], rows[nb], gsem[nb])
                if want_deg:
                    def inner(i, carry2, jj=jj):
                        v = dst_g[jj, pl.ds(i * 16, 16)]
                        cnt, last = plsc.scan_count(v)
                        plsc.addupdate_scatter(deg_v, [v],
                                               cnt.astype(jnp.float32),
                                               mask=last)
                        return carry2

                    lax.fori_loop(0, K // 16, inner, 0)
                pltpu.async_copy(rows[b], agg_sh.at[dst_g.at[jj]],
                                 ssem[b], add=True).wait()
            return carry

        lax.fori_loop(0, NG, group, 0)
        plsc.subcore_barrier()
        pltpu.sync_copy(agg_sh.at[pl.ds(r0, ROWS_PER_TILE)],
                        agg_out.at[c, pl.ds(r0, ROWS_PER_TILE)])
        if want_deg:
            pltpu.sync_copy(deg_v, deg_out.at[w])

    return sc_agg


_sc_agg_deg = _make_sc_agg(True)
_sc_agg = _make_sc_agg(False)


def _layer1_body(x_ref, agg_ref, deg_ref, ws_ref, wn_ref, b_ref, h_ref):
    deg = jnp.maximum(jnp.sum(deg_ref[...], axis=1), 1.0)[:, None]
    mean = (agg_ref[0] + agg_ref[1]) / deg
    h = (jnp.dot(x_ref[...], ws_ref[...],
                 preferred_element_type=jnp.float32,
                 precision=lax.Precision.HIGHEST)
         + jnp.dot(mean, wn_ref[...],
                   preferred_element_type=jnp.float32,
                   precision=lax.Precision.HIGHEST)
         + b_ref[...])
    h_ref[...] = jnp.where(h >= 0, h, 0.01 * h)


def _tc_layer1(x, agg, deg, Ws, Wn, b):
    return pl.pallas_call(
        _layer1_body,
        grid=(GRID,),
        in_specs=[
            pl.BlockSpec((R, D), lambda i: (i, 0)),
            pl.BlockSpec((2, R, D), lambda i: (0, i, 0)),
            pl.BlockSpec((R, NW), lambda i: (i, 0)),
            pl.BlockSpec((D, D), lambda i: (0, 0)),
            pl.BlockSpec((D, D), lambda i: (0, 0)),
            pl.BlockSpec((1, D), lambda i: (0, 0)),
        ],
        out_specs=pl.BlockSpec((R, D), lambda i: (i, 0)),
        out_shape=jax.ShapeDtypeStruct((N, D), jnp.float32),
    )(x, agg, deg, Ws, Wn, b)


def _layer2_body(x_ref, agg_ref, deg_ref, ws_ref, wn_ref, b_ref,
                 mf_ref, w3a_ref, w3b_ref, b3_ref, w4_ref, b4_ref,
                 out_ref, acc_ref):
    i = pl.program_id(0)

    @pl.when(i == 0)
    def _():
        acc_ref[...] = jnp.zeros_like(acc_ref)

    deg = jnp.maximum(jnp.sum(deg_ref[...], axis=1), 1.0)[:, None]
    mean = (agg_ref[0] + agg_ref[1]) / deg
    h = (jnp.dot(x_ref[...], ws_ref[...],
                 preferred_element_type=jnp.float32,
                 precision=lax.Precision.HIGHEST)
         + jnp.dot(mean, wn_ref[...],
                   preferred_element_type=jnp.float32,
                   precision=lax.Precision.HIGHEST)
         + b_ref[...])
    h = jnp.where(h >= 0, h, 0.01 * h)
    acc_ref[...] += jnp.sum(h, axis=0, keepdims=True)

    @pl.when(i == GRID - 1)
    def _():
        g = acc_ref[...] / jnp.float32(N)
        r = (jnp.dot(g, w3a_ref[...],
                     preferred_element_type=jnp.float32,
                     precision=lax.Precision.HIGHEST)
             + jnp.dot(mf_ref[...], w3b_ref[...],
                       preferred_element_type=jnp.float32,
                       precision=lax.Precision.HIGHEST)
             + b3_ref[...])
        r = jnp.maximum(r, 0.0)
        out_ref[...] = (jnp.dot(r, w4_ref[...],
                                preferred_element_type=jnp.float32,
                                precision=lax.Precision.HIGHEST)
                        + b4_ref[...])


def _tc_layer2(x, agg, deg, Ws, Wn, b, mf, W3a, W3b, b3, W4, b4):
    return pl.pallas_call(
        _layer2_body,
        grid=(GRID,),
        in_specs=[
            pl.BlockSpec((R, D), lambda i: (i, 0)),
            pl.BlockSpec((2, R, D), lambda i: (0, i, 0)),
            pl.BlockSpec((R, NW), lambda i: (i, 0)),
            pl.BlockSpec((D, D), lambda i: (0, 0)),
            pl.BlockSpec((D, D), lambda i: (0, 0)),
            pl.BlockSpec((1, D), lambda i: (0, 0)),
            pl.BlockSpec((1, 16), lambda i: (0, 0)),
            pl.BlockSpec((D, 64), lambda i: (0, 0)),
            pl.BlockSpec((16, 64), lambda i: (0, 0)),
            pl.BlockSpec((1, 64), lambda i: (0, 0)),
            pl.BlockSpec((64, 1), lambda i: (0, 0)),
            pl.BlockSpec((1, 1), lambda i: (0, 0)),
        ],
        out_specs=pl.BlockSpec((1, 1), lambda i: (0, 0)),
        out_shape=jax.ShapeDtypeStruct((1, 1), jnp.float32),
        scratch_shapes=[pltpu.VMEM((1, D), jnp.float32)],
    )(x, agg, deg, Ws, Wn, b, mf, W3a, W3b, b3, W4, b4)


def kernel(x, edge_index, manual_features, W1_self, W1_neigh, b1,
           W2_self, W2_neigh, b2, W3, b3, W4, b4):
    src = edge_index[0]
    dst = edge_index[1]
    pad_ar = jnp.arange(EPAD - E, dtype=jnp.int32)
    pad_s = pad_ar % N
    pad_d = N + pad_ar % (NPAD - N)
    src3 = jnp.concatenate([src, pad_s]).reshape(NW * NG, G, K)
    dst3 = jnp.concatenate([dst, pad_d]).reshape(NW * NG, G, K)
    z128 = jnp.zeros((NPAD, D), jnp.float32)

    agg1, deg = _sc_agg_deg(x, src3, dst3, z128)
    deg = deg.T
    h1 = _tc_layer1(x, agg1, deg, W1_self, W1_neigh, b1.reshape(1, D))
    (agg2,) = _sc_agg(h1, src3, dst3, z128)
    out = _tc_layer2(h1, agg2, deg, W2_self, W2_neigh, b2.reshape(1, D),
                     manual_features.reshape(1, 16),
                     W3[:D], W3[D:], b3.reshape(1, 64),
                     W4, b4.reshape(1, 1))
    return out.reshape(1)

# --- scband reference (transcript-rebuilt; emitter-appended) ---
"""Pipeline reference for scband-network-13168369729592 (READ-ONLY COPY).

The authoritative reference and input builder live on the scoring server;
editing this copy changes nothing except your own understanding.
"""

import jax, jax.numpy as jnp
import numpy as np

N = 10000
E = 320000
D = 128
H1 = 128
H2 = 128
MF = 16
H3 = 64


def sage_conv(x, src, dst, W_self, W_neigh, b, num_nodes):
    # PyG SAGEConv with mean aggregation: out_i = x_i @ W_self + mean_{j->i}(x_j) @ W_neigh + b
    msg = x[src]
    agg = jax.ops.segment_sum(msg, dst, num_segments=num_nodes)
    deg = jax.ops.segment_sum(jnp.ones((src.shape[0],), x.dtype), dst, num_segments=num_nodes)
    mean = agg / jnp.clip(deg, 1.0)[:, None]
    return x @ W_self + mean @ W_neigh + b


def setup_inputs(seed: int = 0) -> dict:
    key = jax.random.key(seed)
    ks = jax.random.split(key, 14)
    x = jax.random.normal(ks[0], (N, D), dtype=jnp.float32)
    edge_index = jax.random.randint(ks[1], (2, E), 0, N, dtype=jnp.int32)
    manual_features = jax.random.normal(ks[2], (MF,), dtype=jnp.float32)
    W1_self = 0.05 * jax.random.normal(ks[3], (D, H1), dtype=jnp.float32)
    W1_neigh = 0.05 * jax.random.normal(ks[4], (D, H1), dtype=jnp.float32)
    b1 = jnp.zeros((H1,), dtype=jnp.float32)
    W2_self = 0.05 * jax.random.normal(ks[5], (H1, H2), dtype=jnp.float32)
    W2_neigh = 0.05 * jax.random.normal(ks[6], (H1, H2), dtype=jnp.float32)
    b2 = jnp.zeros((H2,), dtype=jnp.float32)
    W3 = 0.05 * jax.random.normal(ks[7], (H2 + MF, H3), dtype=jnp.float32)
    b3 = jnp.zeros((H3,), dtype=jnp.float32)
    W4 = 0.05 * jax.random.normal(ks[8], (H3, 1), dtype=jnp.float32)
    b4 = jnp.zeros((1,), dtype=jnp.float32)
    return {
        "x": x, "edge_index": edge_index, "manual_features": manual_features,
        "W1_self": W1_self, "W1_neigh": W1_neigh, "b1": b1,
        "W2_self": W2_self, "W2_neigh": W2_neigh, "b2": b2,
        "W3": W3, "b3": b3, "W4": W4, "b4": b4,
    }


def reference(x, edge_index, manual_features, W1_self, W1_neigh, b1, W2_self, W2_neigh, b2, W3, b3, W4, b4):
    src = edge_index[0]
    dst = edge_index[1]
    n = x.shape[0]
    h = jax.nn.leaky_relu(sage_conv(x, src, dst, W1_self, W1_neigh, b1, n), negative_slope=0.01)
    h = jax.nn.leaky_relu(sage_conv(h, src, dst, W2_self, W2_neigh, b2, n), negative_slope=0.01)
    g = jnp.mean(h, axis=0)
    g = jnp.concatenate([g, manual_features], axis=0)
    g = jax.nn.relu(g @ W3 + b3)
    return g @ W4 + b4

if __name__ == "__main__":
    import jax
    _d = setup_inputs()
    print(jax.jit(kernel)(*tuple(_d.values())))

</pallas_src>

<mosaic_0001>
#map = affine_map<(d0, d1) -> (0, 0)>
#map1 = affine_map<(d0, d1) -> (0, 0, 0)>
module attributes {stable_mosaic.version = 14 : i64} {
  func.func @sc_agg(%arg0: i32, %arg1: i32, %arg2: memref<10000x128xf32, #tpu.memory_space<hbm>>, %arg3: memref<320x8x128xi32, #tpu.memory_space<hbm>>, %arg4: memref<320x8x128xi32, #tpu.memory_space<hbm>>, %arg5: memref<10112x128xf32, #tpu.memory_space<hbm>>, %arg6: memref<2x10112x128xf32, #tpu.memory_space<hbm>>, %arg7: memref<32x10112xf32, #tpu.memory_space<hbm>>, %arg8: memref<8x128xi32, #tpu.memory_space<vmem>>, %arg9: memref<8x128xi32, #tpu.memory_space<vmem>>, %arg10: memref<128x128xf32, #tpu.memory_space<vmem>>, %arg11: memref<128x128xf32, #tpu.memory_space<vmem>>, %arg12: memref<10112x128xf32, #tpu.memory_space<vmem_shared>>, %arg13: memref<!tpu.dma_semaphore, #tpu.memory_space<semaphore_mem>>, %arg14: memref<!tpu.dma_semaphore, #tpu.memory_space<semaphore_mem>>, %arg15: memref<!tpu.dma_semaphore, #tpu.memory_space<semaphore_mem>>, %arg16: memref<!tpu.dma_semaphore, #tpu.memory_space<semaphore_mem>>, %arg17: memref<10112xf32, #tpu.memory_space<vmem>>) attributes {dimension_semantics = [#tpu.dimension_semantics<core_parallel>, #tpu.dimension_semantics<subcore_parallel>], iteration_bounds = array<i64: 2, 16>, scalar_prefetch = 0 : i64, scratch_operands = 10 : i64, tpu.core_type = #tpu.core_type<sc_vector_subcore>, window_params = [{transform_indices = #map}, {transform_indices = #map1}, {transform_indices = #map1}, {transform_indices = #map}, {transform_indices = #map1}, {transform_indices = #map}]} {
    %mul3A = arith.constant 16 : i32
    %mul3A_0 = arith.muli %arg0, %mul3A : i32
    %add3A = arith.addi %mul3A_0, %arg1 : i32
    %mul3A_1 = arith.constant 632 : i32
    %mul3A_2 = arith.muli %arg1, %mul3A_1 : i32
    "tpu.region"() ({
      %run_scoped3A = tpu.sem_alloc : memref<!tpu.dma_semaphore, #tpu.memory_space<semaphore_mem>>
      %dma_start3A = arith.constant 0 : i32
      %dma_start3A_15 = tpu.memref_slice %arg12[%mul3A_2, %dma_start3A] : memref<10112x128xf32, #tpu.memory_space<vmem_shared>> -> memref<632x128xf32, #tpu.memory_space<vmem_shared>>
      %dma_start3A_16 = arith.constant 0 : i32
      %dma_start3A_17 = tpu.memref_slice %arg5[%mul3A_2, %dma_start3A_16] : memref<10112x128xf32, #tpu.memory_space<hbm>> -> memref<632x128xf32, #tpu.memory_space<hbm>>
      tpu.enqueue_dma source(%dma_start3A_17 : memref<632x128xf32, #tpu.memory_space<hbm>>) target(%dma_start3A_15 : memref<632x128xf32, #tpu.memory_space<vmem_shared>>) target_semaphore(%run_scoped3A : memref<!tpu.dma_semaphore, #tpu.memory_space<semaphore_mem>>)
      %dma_wait3A = arith.constant 0 : i32
      %dma_wait3A_18 = tpu.memref_slice %arg12[%mul3A_2, %dma_wait3A] : memref<10112x128xf32, #tpu.memory_space<vmem_shared>> -> memref<632x128xf32, #tpu.memory_space<vmem_shared>>
      %dma_wait3A_19 = arith.constant 0 : i32
      %dma_wait3A_20 = tpu.memref_slice %arg5[%mul3A_2, %dma_wait3A_19] : memref<10112x128xf32, #tpu.memory_space<hbm>> -> memref<632x128xf32, #tpu.memory_space<hbm>>
      tpu.wait_dma2 semaphore(%run_scoped3A : memref<!tpu.dma_semaphore, #tpu.memory_space<semaphore_mem>>) src(%dma_wait3A_20 : memref<632x128xf32, #tpu.memory_space<hbm>>) dst(%dma_wait3A_18 : memref<632x128xf32, #tpu.memory_space<vmem_shared>>)
      tpu.yield
    }) : () -> ()
    %scan3A = arith.constant 0 : i32
    %scan3A_3 = arith.constant 0 : i32
    %scan3A_4 = arith.constant 632 : i32
    %scan3A_5 = arith.addi %scan3A_3, %scan3A_4 : i32
    %scan3A_6 = arith.constant 1 : i32
    scf.for %scan3A_15 = %scan3A_3 to %scan3A_5 step %scan3A_6  : i32 {
      %broadcast_in_dim3A = arith.constant 0.000000e+00 : f32
      %broadcast_in_dim3A_16 = vector.broadcast %broadcast_in_dim3A : f32 to vector<16xf32>
      %mul3A_17 = arith.constant 16 : i32
      %mul3A_18 = arith.muli %scan3A_15, %mul3A_17 : i32
      %swap3A = arith.index_cast %mul3A_18 : i32 to index
      %swap3A_19 = tpu.vector_load %arg17[%swap3A] {strides = array<i32>} : memref<10112xf32, #tpu.memory_space<vmem>>, vector<16xf32>,
      tpu.vector_store %arg17[%swap3A], %broadcast_in_dim3A_16 {strides = array<i32>} : memref<10112xf32, #tpu.memory_space<vmem>>, vector<16xf32>,
    }
    %scan3A_7 = arith.constant 632 : i32
    %barrier3A = arith.constant 0 : index
    tpu.barrier barrier_id(%barrier3A)
    %scan3A_8 = arith.constant 0 : i32
    %scan3A_9 = arith.constant 0 : i32
    %scan3A_10 = arith.constant 10 : i32
    %scan3A_11 = arith.addi %scan3A_9, %scan3A_10 : i32
    %scan3A_12 = arith.constant 1 : i32
    scf.for %scan3A_15 = %scan3A_9 to %scan3A_11 step %scan3A_12  : i32 {
      %mul3A_16 = arith.constant 10 : i32
      %mul3A_17 = arith.muli %add3A, %mul3A_16 : i32
      %add3A_18 = arith.addi %mul3A_17, %scan3A_15 : i32
      "tpu.region"() ({
        %run_scoped3A = tpu.sem_alloc : memref<!tpu.dma_semaphore, #tpu.memory_space<semaphore_mem>>
        %dma_start3A_289 = arith.constant 0 : i32
        %dma_start3A_290 = arith.constant 0 : i32
        %dma_start3A_291 = tpu.memref_slice %arg3[%add3A_18, %dma_start3A_289, %dma_start3A_290] : memref<320x8x128xi32, #tpu.memory_space<hbm>> -> memref<1x8x128xi32, #tpu.memory_space<hbm>>
        %dma_start3A_292 = tpu.memref_squeeze %dma_start3A_291 : memref<1x8x128xi32, #tpu.memory_space<hbm>> -> memref<8x128xi32, #tpu.memory_space<hbm>>
        %dma_start3A_293 = arith.constant 0 : i32
        %dma_start3A_294 = arith.constant 0 : i32
        %dma_start3A_295 = tpu.memref_slice %arg3[%add3A_18, %dma_start3A_293, %dma_start3A_294] : memref<320x8x128xi32, #tpu.memory_space<hbm>> -> memref<1x8x128xi32, #tpu.memory_space<hbm>>
        %dma_start3A_296 = tpu.memref_squeeze %dma_start3A_295 : memref<1x8x128xi32, #tpu.memory_space<hbm>> -> memref<8x128xi32, #tpu.memory_space<hbm>>
        tpu.enqueue_dma source(%dma_start3A_296 : memref<8x128xi32, #tpu.memory_space<hbm>>) target(%arg8 : memref<8x128xi32, #tpu.memory_space<vmem>>) target_semaphore(%run_scoped3A : memref<!tpu.dma_semaphore, #tpu.memory_space<semaphore_mem>>)
        %dma_wait3A_297 = arith.constant 0 : i32
        %dma_wait3A_298 = arith.constant 0 : i32
        %dma_wait3A_299 = tpu.memref_slice %arg3[%add3A_18, %dma_wait3A_297, %dma_wait3A_298] : memref<320x8x128xi32, #tpu.memory_space<hbm>> -> memref<1x8x128xi32, #tpu.memory_space<hbm>>
        %dma_wait3A_300 = tpu.memref_squeeze %dma_wait3A_299 : memref<1x8x128xi32, #tpu.memory_space<hbm>> -> memref<8x128xi32, #tpu.memory_space<hbm>>
        %dma_wait3A_301 = arith.constant 0 : i32
        %dma_wait3A_302 = arith.constant 0 : i32
        %dma_wait3A_303 = tpu.memref_slice %arg3[%add3A_18, %dma_wait3A_301, %dma_wait3A_302] : memref<320x8x128xi32, #tpu.memory_space<hbm>> -> memref<1x8x128xi32, #tpu.memory_space<hbm>>
        %dma_wait3A_304 = tpu.memref_squeeze %dma_wait3A_303 : memref<1x8x128xi32, #tpu.memory_space<hbm>> -> memref<8x128xi32, #tpu.memory_space<hbm>>
        tpu.wait_dma2 semaphore(%run_scoped3A : memref<!tpu.dma_semaphore, #tpu.memory_space<semaphore_mem>>) src(%dma_wait3A_304 : memref<8x128xi32, #tpu.memory_space<hbm>>) dst(%arg8 : memref<8x128xi32, #tpu.memory_space<vmem>>)
        tpu.yield
      }) : () -> ()
      "tpu.region"() ({
        %run_scoped3A = tpu.sem_alloc : memref<!tpu.dma_semaphore, #tpu.memory_space<semaphore_mem>>
        %dma_start3A_289 = arith.constant 0 : i32
        %dma_start3A_290 = arith.constant 0 : i32
        %dma_start3A_291 = tpu.memref_slice %arg4[%add3A_18, %dma_start3A_289, %dma_start3A_290] : memref<320x8x128xi32, #tpu.memory_space<hbm>> -> memref<1x8x128xi32, #tpu.memory_space<hbm>>
        %dma_start3A_292 = tpu.memref_squeeze %dma_start3A_291 : memref<1x8x128xi32, #tpu.memory_space<hbm>> -> memref<8x128xi32, #tpu.memory_space<hbm>>
        %dma_start3A_293 = arith.constant 0 : i32
        %dma_start3A_294 = arith.constant 0 : i32
        %dma_start3A_295 = tpu.memref_slice %arg4[%add3A_18, %dma_start3A_293, %dma_start3A_294] : memref<320x8x128xi32, #tpu.memory_space<hbm>> -> memref<1x8x128xi32, #tpu.memory_space<hbm>>
        %dma_start3A_296 = tpu.memref_squeeze %dma_start3A_295 : memref<1x8x128xi32, #tpu.memory_space<hbm>> -> memref<8x128xi32, #tpu.memory_space<hbm>>
        tpu.enqueue_dma source(%dma_start3A_296 : memref<8x128xi32, #tpu.memory_space<hbm>>) target(%arg9 : memref<8x128xi32, #tpu.memory_space<vmem>>) target_semaphore(%run_scoped3A : memref<!tpu.dma_semaphore, #tpu.memory_space<semaphore_mem>>)
        %dma_wait3A_297 = arith.constant 0 : i32
        %dma_wait3A_298 = arith.constant 0 : i32
        %dma_wait3A_299 = tpu.memref_slice %arg4[%add3A_18, %dma_wait3A_297, %dma_wait3A_298] : memref<320x8x128xi32, #tpu.memory_space<hbm>> -> memref<1x8x128xi32, #tpu.memory_space<hbm>>
        %dma_wait3A_300 = tpu.memref_squeeze %dma_wait3A_299 : memref<1x8x128xi32, #tpu.memory_space<hbm>> -> memref<8x128xi32, #tpu.memory_space<hbm>>
        %dma_wait3A_301 = arith.constant 0 : i32
        %dma_wait3A_302 = arith.constant 0 : i32
        %dma_wait3A_303 = tpu.memref_slice %arg4[%add3A_18, %dma_wait3A_301, %dma_wait3A_302] : memref<320x8x128xi32, #tpu.memory_space<hbm>> -> memref<1x8x128xi32, #tpu.memory_space<hbm>>
        %dma_wait3A_304 = tpu.memref_squeeze %dma_wait3A_303 : memref<1x8x128xi32, #tpu.memory_space<hbm>> -> memref<8x128xi32, #tpu.memory_space<hbm>>
        tpu.wait_dma2 semaphore(%run_scoped3A : memref<!tpu.dma_semaphore, #tpu.memory_space<semaphore_mem>>) src(%dma_wait3A_304 : memref<8x128xi32, #tpu.memory_space<hbm>>) dst(%arg9 : memref<8x128xi32, #tpu.memory_space<vmem>>)
        tpu.yield
      }) : () -> ()
      %dma_start3A = arith.constant 0 : i32
      %dma_start3A_19 = arith.constant 0 : i32
      %dma_start3A_20 = tpu.memref_slice %arg8[%dma_start3A, %dma_start3A_19] : memref<8x128xi32, #tpu.memory_space<vmem>> -> memref<1x128xi32, #tpu.memory_space<vmem>>
      %dma_start3A_21 = tpu.memref_squeeze %dma_start3A_20 : memref<1x128xi32, #tpu.memory_space<vmem>> -> memref<128xi32, #tpu.memory_space<vmem>>
      %dma_start3A_22 = arith.constant 0 : i32
      %dma_start3A_23 = arith.constant 0 : i32
      %dma_start3A_24 = tpu.memref_slice %arg2[%dma_start3A_22, %dma_start3A_23] : memref<10000x128xf32, #tpu.memory_space<hbm>> -> memref<10000x128xf32, #tpu.memory_space<hbm>>
      tpu.enqueue_indirect_dma source(%dma_start3A_24 : memref<10000x128xf32, #tpu.memory_space<hbm>>) target(%arg10 : memref<128x128xf32, #tpu.memory_space<vmem>>) offsets(%dma_start3A_21 : memref<128xi32, #tpu.memory_space<vmem>>) semaphore(%arg13 : memref<!tpu.dma_semaphore, #tpu.memory_space<semaphore_mem>>)
      %dma_wait3A = arith.constant 0 : i32
      %dma_wait3A_25 = arith.constant 0 : i32
      %dma_wait3A_26 = tpu.memref_slice %arg8[%dma_wait3A, %dma_wait3A_25] : memref<8x128xi32, #tpu.memory_space<vmem>> -> memref<1x128xi32, #tpu.memory_space<vmem>>
      %dma_wait3A_27 = tpu.memref_squeeze %dma_wait3A_26 : memref<1x128xi32, #tpu.memory_space<vmem>> -> memref<128xi32, #tpu.memory_space<vmem>>
      %dma_wait3A_28 = arith.constant 0 : i32
      %dma_wait3A_29 = arith.constant 0 : i32
      %dma_wait3A_30 = tpu.memref_slice %arg2[%dma_wait3A_28, %dma_wait3A_29] : memref<10000x128xf32, #tpu.memory_space<hbm>> -> memref<10000x128xf32, #tpu.memory_space<hbm>>
      tpu.wait_indirect_dma semaphore(%arg13 : memref<!tpu.dma_semaphore, #tpu.memory_space<semaphore_mem>>) src(%dma_wait3A_30 : memref<10000x128xf32, #tpu.memory_space<hbm>>) dst(%arg10 : memref<128x128xf32, #tpu.memory_space<vmem>>)
      %dma_start3A_31 = arith.constant 1 : i32
      %dma_start3A_32 = arith.constant 0 : i32
      %dma_start3A_33 = tpu.memref_slice %arg8[%dma_start3A_31, %dma_start3A_32] : memref<8x128xi32, #tpu.memory_space<vmem>> -> memref<1x128xi32, #tpu.memory_space<vmem>>
      %dma_start3A_34 = tpu.memref_squeeze %dma_start3A_33 : memref<1x128xi32, #tpu.memory_space<vmem>> -> memref<128xi32, #tpu.memory_space<vmem>>
      %dma_start3A_35 = arith.constant 0 : i32
      %dma_start3A_36 = arith.constant 0 : i32
      %dma_start3A_37 = tpu.memref_slice %arg2[%dma_start3A_35, %dma_start3A_36] : memref<10000x128xf32, #tpu.memory_space<hbm>> -> memref<10000x128xf32, #tpu.memory_space<hbm>>
      tpu.enqueue_indirect_dma source(%dma_start3A_37 : memref<10000x128xf32, #tpu.memory_space<hbm>>) target(%arg11 : memref<128x128xf32, #tpu.memory_space<vmem>>) offsets(%dma_start3A_34 : memref<128xi32, #tpu.memory_space<vmem>>) semaphore(%arg14 : memref<!tpu.dma_semaphore, #tpu.memory_space<semaphore_mem>>)
      %scan3A_38 = arith.constant 0 : i32
      %scan3A_39 = arith.constant 0 : i32
      %scan3A_40 = arith.constant 8 : i32
      %scan3A_41 = arith.addi %scan3A_39, %scan3A_40 : i32
      %scan3A_42 = arith.constant 1 : i32
      scf.for %scan3A_289 = %scan3A_39 to %scan3A_41 step %scan3A_42  : i32 {
        %mul3A_290 = arith.constant 16 : i32
        %mul3A_291 = arith.muli %scan3A_289, %mul3A_290 : i32
        %get3A = arith.constant 0 : i32
        %get3A_292 = arith.index_cast %get3A : i32 to index
        %get3A_293 = arith.index_cast %mul3A_291 : i32 to index
        %get3A_294 = tpu.vector_load %arg9[%get3A_292, %get3A_293] {strides = array<i32>} : memref<8x128xi32, #tpu.memory_space<vmem>>, vector<16xi32>,
        %broadcast_in_dim3A = arith.constant true
        %broadcast_in_dim3A_295 = vector.broadcast %broadcast_in_dim3A : i1 to vector<16xi1>
        %unique3A, %unique3A_296 = tpu.scan_count mask(%broadcast_in_dim3A_295 : vector<16xi1>) value(%get3A_294 : vector<16xi32>) : vector<16xi1>, vector<16xi32>
        %convert_element_type3A = arith.sitofp %unique3A_296 : vector<16xi32> to vector<16xf32>
        tpu.vector_store_idx %arg17[%get3A_294], %convert_element_type3A masked %unique3A {add = true} : memref<10112xf32, #tpu.memory_space<vmem>>[vector<16xi32>], vector<16xf32>, vector<16xi1>
      }
      %scan3A_43 = arith.constant 8 : i32
      %dma_start3A_44 = arith.constant 0 : i32
      %dma_start3A_45 = arith.constant 0 : i32
      %dma_start3A_46 = tpu.memref_slice %arg9[%dma_start3A_44, %dma_start3A_45] : memref<8x128xi32, #tpu.memory_space<vmem>> -> memref<1x128xi32, #tpu.memory_space<vmem>>
      %dma_start3A_47 = tpu.memref_squeeze %dma_start3A_46 : memref<1x128xi32, #tpu.memory_space<vmem>> -> memref<128xi32, #tpu.memory_space<vmem>>
      %dma_start3A_48 = arith.constant 0 : i32
      %dma_start3A_49 = arith.constant 0 : i32
      %dma_start3A_50 = tpu.memref_slice %arg12[%dma_start3A_48, %dma_start3A_49] : memref<10112x128xf32, #tpu.memory_space<vmem_shared>> -> memref<10112x128xf32, #tpu.memory_space<vmem_shared>>
      tpu.enqueue_indirect_dma source(%arg10 : memref<128x128xf32, #tpu.memory_space<vmem>>) target(%dma_start3A_50 : memref<10112x128xf32, #tpu.memory_space<vmem_shared>>) offsets(%dma_start3A_47 : memref<128xi32, #tpu.memory_space<vmem>>) semaphore(%arg15 : memref<!tpu.dma_semaphore, #tpu.memory_space<semaphore_mem>>) {add = true}
      %dma_wait3A_51 = arith.constant 0 : i32
      %dma_wait3A_52 = arith.constant 0 : i32
      %dma_wait3A_53 = tpu.memref_slice %arg9[%dma_wait3A_51, %dma_wait3A_52] : memref<8x128xi32, #tpu.memory_space<vmem>> -> memref<1x128xi32, #tpu.memory_space<vmem>>
      %dma_wait3A_54 = tpu.memref_squeeze %dma_wait3A_53 : memref<1x128xi32, #tpu.memory_space<vmem>> -> memref<128xi32, #tpu.memory_space<vmem>>
      %dma_wait3A_55 = arith.constant 0 : i32
      %dma_wait3A_56 = arith.constant 0 : i32
      %dma_wait3A_57 = tpu.memref_slice %arg12[%dma_wait3A_55, %dma_wait3A_56] : memref<10112x128xf32, #tpu.memory_space<vmem_shared>> -> memref<10112x128xf32, #tpu.memory_space<vmem_shared>>
      tpu.wait_indirect_dma semaphore(%arg15 : memref<!tpu.dma_semaphore, #tpu.memory_space<semaphore_mem>>) src(%arg10 : memref<128x128xf32, #tpu.memory_space<vmem>>) dst(%dma_wait3A_57 : memref<10112x128xf32, #tpu.memory_space<vmem_shared>>)
      %dma_wait3A_58 = arith.constant 1 : i32
      %dma_wait3A_59 = arith.constant 0 : i32
      %dma_wait3A_60 = tpu.memref_slice %arg8[%dma_wait3A_58, %dma_wait3A_59] : memref<8x128xi32, #tpu.memory_space<vmem>> -> memref<1x128xi32, #tpu.memory_space<vmem>>
      %dma_wait3A_61 = tpu.memref_squeeze %dma_wait3A_60 : memref<1x128xi32, #tpu.memory_space<vmem>> -> memref<128xi32, #tpu.memory_space<vmem>>
      %dma_wait3A_62 = arith.constant 0 : i32
      %dma_wait3A_63 = arith.constant 0 : i32
      %dma_wait3A_64 = tpu.memref_slice %arg2[%dma_wait3A_62, %dma_wait3A_63] : memref<10000x128xf32, #tpu.memory_space<hbm>> -> memref<10000x128xf32, #tpu.memory_space<hbm>>
      tpu.wait_indirect_dma semaphore(%arg14 : memref<!tpu.dma_semaphore, #tpu.memory_space<semaphore_mem>>) src(%dma_wait3A_64 : memref<10000x128xf32, #tpu.memory_space<hbm>>) dst(%arg11 : memref<128x128xf32, #tpu.memory_space<vmem>>)
      %dma_start3A_65 = arith.constant 2 : i32
      %dma_start3A_66 = arith.constant 0 : i32
      %dma_start3A_67 = tpu.memref_slice %arg8[%dma_start3A_65, %dma_start3A_66] : memref<8x128xi32, #tpu.memory_space<vmem>> -> memref<1x128xi32, #tpu.memory_space<vmem>>
      %dma_start3A_68 = tpu.memref_squeeze %dma_start3A_67 : memref<1x128xi32, #tpu.memory_space<vmem>> -> memref<128xi32, #tpu.memory_space<vmem>>
      %dma_start3A_69 = arith.constant 0 : i32
      %dma_start3A_70 = arith.constant 0 : i32
      %dma_start3A_71 = tpu.memref_slice %arg2[%dma_start3A_69, %dma_start3A_70] : memref<10000x128xf32, #tpu.memory_space<hbm>> -> memref<10000x128xf32, #tpu.memory_space<hbm>>
      tpu.enqueue_indirect_dma source(%dma_start3A_71 : memref<10000x128xf32, #tpu.memory_space<hbm>>) target(%arg10 : memref<128x128xf32, #tpu.memory_space<vmem>>) offsets(%dma_start3A_68 : memref<128xi32, #tpu.memory_space<vmem>>) semaphore(%arg13 : memref<!tpu.dma_semaphore, #tpu.memory_space<semaphore_mem>>)
      %scan3A_72 = arith.constant 0 : i32
      %scan3A_73 = arith.constant 0 : i32
      %scan3A_74 = arith.constant 8 : i32
      %scan3A_75 = arith.addi %scan3A_73, %scan3A_74 : i32
      %scan3A_76 = arith.constant 1 : i32
      scf.for %scan3A_289 = %scan3A_73 to %scan3A_75 step %scan3A_76  : i32 {
        %mul3A_290 = arith.constant 16 : i32
        %mul3A_291 = arith.muli %scan3A_289, %mul3A_290 : i32
        %get3A = arith.constant 1 : i32
        %get3A_292 = arith.index_cast %get3A : i32 to index
        %get3A_293 = arith.index_cast %mul3A_291 : i32 to index
        %get3A_294 = tpu.vector_load %arg9[%get3A_292, %get3A_293] {strides = array<i32>} : memref<8x128xi32, #tpu.memory_space<vmem>>, vector<16xi32>,
        %broadcast_in_dim3A = arith.constant true
        %broadcast_in_dim3A_295 = vector.broadcast %broadcast_in_dim3A : i1 to vector<16xi1>
        %unique3A, %unique3A_296 = tpu.scan_count mask(%broadcast_in_dim3A_295 : vector<16xi1>) value(%get3A_294 : vector<16xi32>) : vector<16xi1>, vector<16xi32>
        %convert_element_type3A = arith.sitofp %unique3A_296 : vector<16xi32> to vector<16xf32>
        tpu.vector_store_idx %arg17[%get3A_294], %convert_element_type3A masked %unique3A {add = true} : memref<10112xf32, #tpu.memory_space<vmem>>[vector<16xi32>], vector<16xf32>, vector<16xi1>
      }
      %scan3A_77 = arith.constant 8 : i32
      %dma_start3A_78 = arith.constant 1 : i32
      %dma_start3A_79 = arith.constant 0 : i32
      %dma_start3A_80 = tpu.memref_slice %arg9[%dma_start3A_78, %dma_start3A_79] : memref<8x128xi32, #tpu.memory_space<vmem>> -> memref<1x128xi32, #tpu.memory_space<vmem>>
      %dma_start3A_81 = tpu.memref_squeeze %dma_start3A_80 : memref<1x128xi32, #tpu.memory_space<vmem>> -> memref<128xi32, #tpu.memory_space<vmem>>
      %dma_start3A_82 = arith.constant 0 : i32
      %dma_start3A_83 = arith.constant 0 : i32
      %dma_start3A_84 = tpu.memref_slice %arg12[%dma_start3A_82, %dma_start3A_83] : memref<10112x128xf32, #tpu.memory_space<vmem_shared>> -> memref<10112x128xf32, #tpu.memory_space<vmem_shared>>
      tpu.enqueue_indirect_dma source(%arg11 : memref<128x128xf32, #tpu.memory_space<vmem>>) target(%dma_start3A_84 : memref<10112x128xf32, #tpu.memory_space<vmem_shared>>) offsets(%dma_start3A_81 : memref<128xi32, #tpu.memory_space<vmem>>) semaphore(%arg16 : memref<!tpu.dma_semaphore, #tpu.memory_space<semaphore_mem>>) {add = true}
      %dma_wait3A_85 = arith.constant 1 : i32
      %dma_wait3A_86 = arith.constant 0 : i32
      %dma_wait3A_87 = tpu.memref_slice %arg9[%dma_wait3A_85, %dma_wait3A_86] : memref<8x128xi32, #tpu.memory_space<vmem>> -> memref<1x128xi32, #tpu.memory_space<vmem>>
      %dma_wait3A_88 = tpu.memref_squeeze %dma_wait3A_87 : memref<1x128xi32, #tpu.memory_space<vmem>> -> memref<128xi32, #tpu.memory_space<vmem>>
      %dma_wait3A_89 = arith.constant 0 : i32
      %dma_wait3A_90 = arith.constant 0 : i32
      %dma_wait3A_91 = tpu.memref_slice %arg12[%dma_wait3A_89, %dma_wait3A_90] : memref<10112x128xf32, #tpu.memory_space<vmem_shared>> -> memref<10112x128xf32, #tpu.memory_space<vmem_shared>>
      tpu.wait_indirect_dma semaphore(%arg16 : memref<!tpu.dma_semaphore, #tpu.memory_space<semaphore_mem>>) src(%arg11 : memref<128x128xf32, #tpu.memory_space<vmem>>) dst(%dma_wait3A_91 : memref<10112x128xf32, #tpu.memory_space<vmem_shared>>)
      %dma_wait3A_92 = arith.constant 2 : i32
      %dma_wait3A_93 = arith.constant 0 : i32
      %dma_wait3A_94 = tpu.memref_slice %arg8[%dma_wait3A_92, %dma_wait3A_93] : memref<8x128xi32, #tpu.memory_space<vmem>> -> memref<1x128xi32, #tpu.memory_space<vmem>>
      %dma_wait3A_95 = tpu.memref_squeeze %dma_wait3A_94 : memref<1x128xi32, #tpu.memory_space<vmem>> -> memref<128xi32, #tpu.memory_space<vmem>>
      %dma_wait3A_96 = arith.constant 0 : i32
      %dma_wait3A_97 = arith.constant 0 : i32
      %dma_wait3A_98 = tpu.memref_slice %arg2[%dma_wait3A_96, %dma_wait3A_97] : memref<10000x128xf32, #tpu.memory_space<hbm>> -> memref<10000x128xf32, #tpu.memory_space<hbm>>
      tpu.wait_indirect_dma semaphore(%arg13 : memref<!tpu.dma_semaphore, #tpu.memory_space<semaphore_mem>>) src(%dma_wait3A_98 : memref<10000x128xf32, #tpu.memory_space<hbm>>) dst(%arg10 : memref<128x128xf32, #tpu.memory_space<vmem>>)
      %dma_start3A_99 = arith.constant 3 : i32
      %dma_start3A_100 = arith.constant 0 : i32
      %dma_start3A_101 = tpu.memref_slice %arg8[%dma_start3A_99, %dma_start3A_100] : memref<8x128xi32, #tpu.memory_space<vmem>> -> memref<1x128xi32, #tpu.memory_space<vmem>>
      %dma_start3A_102 = tpu.memref_squeeze %dma_start3A_101 : memref<1x128xi32, #tpu.memory_space<vmem>> -> memref<128xi32, #tpu.memory_space<vmem>>
      %dma_start3A_103 = arith.constant 0 : i32
      %dma_start3A_104 = arith.constant 0 : i32
      %dma_start3A_105 = tpu.memref_slice %arg2[%dma_start3A_103, %dma_start3A_104] : memref<10000x128xf32, #tpu.memory_space<hbm>> -> memref<10000x128xf32, #tpu.memory_space<hbm>>
      tpu.enqueue_indirect_dma source(%dma_start3A_105 : memref<10000x128xf32, #tpu.memory_space<hbm>>) target(%arg11 : memref<128x128xf32, #tpu.memory_space<vmem>>) offsets(%dma_start3A_102 : memref<128xi32, #tpu.memory_space<vmem>>) semaphore(%arg14 : memref<!tpu.dma_semaphore, #tpu.memory_space<semaphore_mem>>)
      %scan3A_106 = arith.constant 0 : i32
      %scan3A_107 = arith.constant 0 : i32
      %scan3A_108 = arith.constant 8 : i32
      %scan3A_109 = arith.addi %scan3A_107, %scan3A_108 : i32
      %scan3A_110 = arith.constant 1 : i32
      scf.for %scan3A_289 = %scan3A_107 to %scan3A_109 step %scan3A_110  : i32 {
        %mul3A_290 = arith.constant 16 : i32
        %mul3A_291 = arith.muli %scan3A_289, %mul3A_290 : i32
        %get3A = arith.constant 2 : i32
        %get3A_292 = arith.index_cast %get3A : i32 to index
        %get3A_293 = arith.index_cast %mul3A_291 : i32 to index
        %get3A_294 = tpu.vector_load %arg9[%get3A_292, %get3A_293] {strides = array<i32>} : memref<8x128xi32, #tpu.memory_space<vmem>>, vector<16xi32>,
        %broadcast_in_dim3A = arith.constant true
        %broadcast_in_dim3A_295 = vector.broadcast %broadcast_in_dim3A : i1 to vector<16xi1>
        %unique3A, %unique3A_296 = tpu.scan_count mask(%broadcast_in_dim3A_295 : vector<16xi1>) value(%get3A_294 : vector<16xi32>) : vector<16xi1>, vector<16xi32>
        %convert_element_type3A = arith.sitofp %unique3A_296 : vector<16xi32> to vector<16xf32>
        tpu.vector_store_idx %arg17[%get3A_294], %convert_element_type3A masked %unique3A {add = true} : memref<10112xf32, #tpu.memory_space<vmem>>[vector<16xi32>], vector<16xf32>, vector<16xi1>
      }
      %scan3A_111 = arith.constant 8 : i32
      %dma_start3A_112 = arith.constant 2 : i32
      %dma_start3A_113 = arith.constant 0 : i32
      %dma_start3A_114 = tpu.memref_slice %arg9[%dma_start3A_112, %dma_start3A_113] : memref<8x128xi32, #tpu.memory_space<vmem>> -> memref<1x128xi32, #tpu.memory_space<vmem>>
      %dma_start3A_115 = tpu.memref_squeeze %dma_start3A_114 : memref<1x128xi32, #tpu.memory_space<vmem>> -> memref<128xi32, #tpu.memory_space<vmem>>
      %dma_start3A_116 = arith.constant 0 : i32
      %dma_start3A_117 = arith.constant 0 : i32
      %dma_start3A_118 = tpu.memref_slice %arg12[%dma_start3A_116, %dma_start3A_117] : memref<10112x128xf32, #tpu.memory_space<vmem_shared>> -> memref<10112x128xf32, #tpu.memory_space<vmem_shared>>
      tpu.enqueue_indirect_dma source(%arg10 : memref<128x128xf32, #tpu.memory_space<vmem>>) target(%dma_start3A_118 : memref<10112x128xf32, #tpu.memory_space<vmem_shared>>) offsets(%dma_start3A_115 : memref<128xi32, #tpu.memory_space<vmem>>) semaphore(%arg15 : memref<!tpu.dma_semaphore, #tpu.memory_space<semaphore_mem>>) {add = true}
      %dma_wait3A_119 = arith.constant 2 : i32
      %dma_wait3A_120 = arith.constant 0 : i32
      %dma_wait3A_121 = tpu.memref_slice %arg9[%dma_wait3A_119, %dma_wait3A_120] : memref<8x128xi32, #tpu.memory_space<vmem>> -> memref<1x128xi32, #tpu.memory_space<vmem>>
      %dma_wait3A_122 = tpu.memref_squeeze %dma_wait3A_121 : memref<1x128xi32, #tpu.memory_space<vmem>> -> memref<128xi32, #tpu.memory_space<vmem>>
      %dma_wait3A_123 = arith.constant 0 : i32
      %dma_wait3A_124 = arith.constant 0 : i32
      %dma_wait3A_125 = tpu.memref_slice %arg12[%dma_wait3A_123, %dma_wait3A_124] : memref<10112x128xf32, #tpu.memory_space<vmem_shared>> -> memref<10112x128xf32, #tpu.memory_space<vmem_shared>>
      tpu.wait_indirect_dma semaphore(%arg15 : memref<!tpu.dma_semaphore, #tpu.memory_space<semaphore_mem>>) src(%arg10 : memref<128x128xf32, #tpu.memory_space<vmem>>) dst(%dma_wait3A_125 : memref<10112x128xf32, #tpu.memory_space<vmem_shared>>)
      %dma_wait3A_126 = arith.constant 3 : i32
      %dma_wait3A_127 = arith.constant 0 : i32
      %dma_wait3A_128 = tpu.memref_slice %arg8[%dma_wait3A_126, %dma_wait3A_127] : memref<8x128xi32, #tpu.memory_space<vmem>> -> memref<1x128xi32, #tpu.memory_space<vmem>>
      %dma_wait3A_129 = tpu.memref_squeeze %dma_wait3A_128 : memref<1x128xi32, #tpu.memory_space<vmem>> -> memref<128xi32, #tpu.memory_space<vmem>>
      %dma_wait3A_130 = arith.constant 0 : i32
      %dma_wait3A_131 = arith.constant 0 : i32
      %dma_wait3A_132 = tpu.memref_slice %arg2[%dma_wait3A_130, %dma_wait3A_131] : memref<10000x128xf32, #tpu.memory_space<hbm>> -> memref<10000x128xf32, #tpu.memory_space<hbm>>
      tpu.wait_indirect_dma semaphore(%arg14 : memref<!tpu.dma_semaphore, #tpu.memory_space<semaphore_mem>>) src(%dma_wait3A_132 : memref<10000x128xf32, #tpu.memory_space<hbm>>) dst(%arg11 : memref<128x128xf32, #tpu.memory_space<vmem>>)
      %dma_start3A_133 = arith.constant 4 : i32
      %dma_start3A_134 = arith.constant 0 : i32
      %dma_start3A_135 = tpu.memref_slice %arg8[%dma_start3A_133, %dma_start3A_134] : memref<8x128xi32, #tpu.memory_space<vmem>> -> memref<1x128xi32, #tpu.memory_space<vmem>>
      %dma_start3A_136 = tpu.memref_squeeze %dma_start3A_135 : memref<1x128xi32, #tpu.memory_space<vmem>> -> memref<128xi32, #tpu.memory_space<vmem>>
      %dma_start3A_137 = arith.constant 0 : i32
      %dma_start3A_138 = arith.constant 0 : i32
      %dma_start3A_139 = tpu.memref_slice %arg2[%dma_start3A_137, %dma_start3A_138] : memref<10000x128xf32, #tpu.memory_space<hbm>> -> memref<10000x128xf32, #tpu.memory_space<hbm>>
      tpu.enqueue_indirect_dma source(%dma_start3A_139 : memref<10000x128xf32, #tpu.memory_space<hbm>>) target(%arg10 : memref<128x128xf32, #tpu.memory_space<vmem>>) offsets(%dma_start3A_136 : memref<128xi32, #tpu.memory_space<vmem>>) semaphore(%arg13 : memref<!tpu.dma_semaphore, #tpu.memory_space<semaphore_mem>>)
      %scan3A_140 = arith.constant 0 : i32
      %scan3A_141 = arith.constant 0 : i32
      %scan3A_142 = arith.constant 8 : i32
      %scan3A_143 = arith.addi %scan3A_141, %scan3A_142 : i32
      %scan3A_144 = arith.constant 1 : i32
      scf.for %scan3A_289 = %scan3A_141 to %scan3A_143 step %scan3A_144  : i32 {
        %mul3A_290 = arith.constant 16 : i32
        %mul3A_291 = arith.muli %scan3A_289, %mul3A_290 : i32
        %get3A = arith.constant 3 : i32
        %get3A_292 = arith.index_cast %get3A : i32 to index
        %get3A_293 = arith.index_cast %mul3A_291 : i32 to index
        %get3A_294 = tpu.vector_load %arg9[%get3A_292, %get3A_293] {strides = array<i32>} : memref<8x128xi32, #tpu.memory_space<vmem>>, vector<16xi32>,
        %broadcast_in_dim3A = arith.constant true
        %broadcast_in_dim3A_295 = vector.broadcast %broadcast_in_dim3A : i1 to vector<16xi1>
        %unique3A, %unique3A_296 = tpu.scan_count mask(%broadcast_in_dim3A_295 : vector<16xi1>) value(%get3A_294 : vector<16xi32>) : vector<16xi1>, vector<16xi32>
        %convert_element_type3A = arith.sitofp %unique3A_296 : vector<16xi32> to vector<16xf32>
        tpu.vector_store_idx %arg17[%get3A_294], %convert_element_type3A masked %unique3A {add = true} : memref<10112xf32, #tpu.memory_space<vmem>>[vector<16xi32>], vector<16xf32>, vector<16xi1>
      }
      %scan3A_145 = arith.constant 8 : i32
      %dma_start3A_146 = arith.constant 3 : i32
      %dma_start3A_147 = arith.constant 0 : i32
      %dma_start3A_148 = tpu.memref_slice %arg9[%dma_start3A_146, %dma_start3A_147] : memref<8x128xi32, #tpu.memory_space<vmem>> -> memref<1x128xi32, #tpu.memory_space<vmem>>
      %dma_start3A_149 = tpu.memref_squeeze %dma_start3A_148 : memref<1x128xi32, #tpu.memory_space<vmem>> -> memref<128xi32, #tpu.memory_space<vmem>>
      %dma_start3A_150 = arith.constant 0 : i32
      %dma_start3A_151 = arith.constant 0 : i32
      %dma_start3A_152 = tpu.memref_slice %arg12[%dma_start3A_150, %dma_start3A_151] : memref<10112x128xf32, #tpu.memory_space<vmem_shared>> -> memref<10112x128xf32, #tpu.memory_space<vmem_shared>>
      tpu.enqueue_indirect_dma source(%arg11 : memref<128x128xf32, #tpu.memory_space<vmem>>) target(%dma_start3A_152 : memref<10112x128xf32, #tpu.memory_space<vmem_shared>>) offsets(%dma_start3A_149 : memref<128xi32, #tpu.memory_space<vmem>>) semaphore(%arg16 : memref<!tpu.dma_semaphore, #tpu.memory_space<semaphore_mem>>) {add = true}
      %dma_wait3A_153 = arith.constant 3 : i32
      %dma_wait3A_154 = arith.constant 0 : i32
      %dma_wait3A_155 = tpu.memref_slice %arg9[%dma_wait3A_153, %dma_wait3A_154] : memref<8x128xi32, #tpu.memory_space<vmem>> -> memref<1x128xi32, #tpu.memory_space<vmem>>
      %dma_wait3A_156 = tpu.memref_squeeze %dma_wait3A_155 : memref<1x128xi32, #tpu.memory_space<vmem>> -> memref<128xi32, #tpu.memory_space<vmem>>
      %dma_wait3A_157 = arith.constant 0 : i32
      %dma_wait3A_158 = arith.constant 0 : i32
      %dma_wait3A_159 = tpu.memref_slice %arg12[%dma_wait3A_157, %dma_wait3A_158] : memref<10112x128xf32, #tpu.memory_space<vmem_shared>> -> memref<10112x128xf32, #tpu.memory_space<vmem_shared>>
      tpu.wait_indirect_dma semaphore(%arg16 : memref<!tpu.dma_semaphore, #tpu.memory_space<semaphore_mem>>) src(%arg11 : memref<128x128xf32, #tpu.memory_space<vmem>>) dst(%dma_wait3A_159 : memref<10112x128xf32, #tpu.memory_space<vmem_shared>>)
      %dma_wait3A_160 = arith.constant 4 : i32
      %dma_wait3A_161 = arith.constant 0 : i32
      %dma_wait3A_162 = tpu.memref_slice %arg8[%dma_wait3A_160, %dma_wait3A_161] : memref<8x128xi32, #tpu.memory_space<vmem>> -> memref<1x128xi32, #tpu.memory_space<vmem>>
      %dma_wait3A_163 = tpu.memref_squeeze %dma_wait3A_162 : memref<1x128xi32, #tpu.memory_space<vmem>> -> memref<128xi32, #tpu.memory_space<vmem>>
      %dma_wait3A_164 = arith.constant 0 : i32
      %dma_wait3A_165 = arith.constant 0 : i32
      %dma_wait3A_166 = tpu.memref_slice %arg2[%dma_wait3A_164, %dma_wait3A_165] : memref<10000x128xf32, #tpu.memory_space<hbm>> -> memref<10000x128xf32, #tpu.memory_space<hbm>>
      tpu.wait_indirect_dma semaphore(%arg13 : memref<!tpu.dma_semaphore, #tpu.memory_space<semaphore_mem>>) src(%dma_wait3A_166 : memref<10000x128xf32, #tpu.memory_space<hbm>>) dst(%arg10 : memref<128x128xf32, #tpu.memory_space<vmem>>)
      %dma_start3A_167 = arith.constant 5 : i32
      %dma_start3A_168 = arith.constant 0 : i32
      %dma_start3A_169 = tpu.memref_slice %arg8[%dma_start3A_167, %dma_start3A_168] : memref<8x128xi32, #tpu.memory_space<vmem>> -> memref<1x128xi32, #tpu.memory_space<vmem>>
      %dma_start3A_170 = tpu.memref_squeeze %dma_start3A_169 : memref<1x128xi32, #tpu.memory_space<vmem>> -> memref<128xi32, #tpu.memory_space<vmem>>
      %dma_start3A_171 = arith.constant 0 : i32
      %dma_start3A_172 = arith.constant 0 : i32
      %dma_start3A_173 = tpu.memref_slice %arg2[%dma_start3A_171, %dma_start3A_172] : memref<10000x128xf32, #tpu.memory_space<hbm>> -> memref<10000x128xf32, #tpu.memory_space<hbm>>
      tpu.enqueue_indirect_dma source(%dma_start3A_173 : memref<10000x128xf32, #tpu.memory_space<hbm>>) target(%arg11 : memref<128x128xf32, #tpu.memory_space<vmem>>) offsets(%dma_start3A_170 : memref<128xi32, #tpu.memory_space<vmem>>) semaphore(%arg14 : memref<!tpu.dma_semaphore, #tpu.memory_space<semaphore_mem>>)
      %scan3A_174 = arith.constant 0 : i32
      %scan3A_175 = arith.constant 0 : i32
      %scan3A_176 = arith.constant 8 : i32
      %scan3A_177 = arith.addi %scan3A_175, %scan3A_176 : i32
      %scan3A_178 = arith.constant 1 : i32
      scf.for %scan3A_289 = %scan3A_175 to %scan3A_177 step %scan3A_178  : i32 {
        %mul3A_290 = arith.constant 16 : i32
        %mul3A_291 = arith.muli %scan3A_289, %mul3A_290 : i32
        %get3A = arith.constant 4 : i32
        %get3A_292 = arith.index_cast %get3A : i32 to index
        %get3A_293 = arith.index_cast %mul3A_291 : i32 to index
        %get3A_294 = tpu.vector_load %arg9[%get3A_292, %get3A_293] {strides = array<i32>} : memref<8x128xi32, #tpu.memory_space<vmem>>, vector<16xi32>,
        %broadcast_in_dim3A = arith.constant true
        %broadcast_in_dim3A_295 = vector.broadcast %broadcast_in_dim3A : i1 to vector<16xi1>
        %unique3A, %unique3A_296 = tpu.scan_count mask(%broadcast_in_dim3A_295 : vector<16xi1>) value(%get3A_294 : vector<16xi32>) : vector<16xi1>, vector<16xi32>
        %convert_element_type3A = arith.sitofp %unique3A_296 : vector<16xi32> to vector<16xf32>
        tpu.vector_store_idx %arg17[%get3A_294], %convert_element_type3A masked %unique3A {add = true} : memref<10112xf32, #tpu.memory_space<vmem>>[vector<16xi32>], vector<16xf32>, vector<16xi1>
      }
      %scan3A_179 = arith.constant 8 : i32
      %dma_start3A_180 = arith.constant 4 : i32
      %dma_start3A_181 = arith.constant 0 : i32
      %dma_start3A_182 = tpu.memref_slice %arg9[%dma_start3A_180, %dma_start3A_181] : memref<8x128xi32, #tpu.memory_space<vmem>> -> memref<1x128xi32, #tpu.memory_space<vmem>>
      %dma_start3A_183 = tpu.memref_squeeze %dma_start3A_182 : memref<1x128xi32, #tpu.memory_space<vmem>> -> memref<128xi32, #tpu.memory_space<vmem>>
      %dma_start3A_184 = arith.constant 0 : i32
      %dma_start3A_185 = arith.constant 0 : i32
      %dma_start3A_186 = tpu.memref_slice %arg12[%dma_start3A_184, %dma_start3A_185] : memref<10112x128xf32, #tpu.memory_space<vmem_shared>> -> memref<10112x128xf32, #tpu.memory_space<vmem_shared>>
      tpu.enqueue_indirect_dma source(%arg10 : memref<128x128xf32, #tpu.memory_space<vmem>>) target(%dma_start3A_186 : memref<10112x128xf32, #tpu.memory_space<vmem_shared>>) offsets(%dma_start3A_183 : memref<128xi32, #tpu.memory_space<vmem>>) semaphore(%arg15 : memref<!tpu.dma_semaphore, #tpu.memory_space<semaphore_mem>>) {add = true}
      %dma_wait3A_187 = arith.constant 4 : i32
      %dma_wait3A_188 = arith.constant 0 : i32
      %dma_wait3A_189 = tpu.memref_slice %arg9[%dma_wait3A_187, %dma_wait3A_188] : memref<8x128xi32, #tpu.memory_space<vmem>> -> memref<1x128xi32, #tpu.memory_space<vmem>>
      %dma_wait3A_190 = tpu.memref_squeeze %dma_wait3A_189 : memref<1x128xi32, #tpu.memory_space<vmem>> -> memref<128xi32, #tpu.memory_space<vmem>>
      %dma_wait3A_191 = arith.constant 0 : i32
      %dma_wait3A_192 = arith.constant 0 : i32
      %dma_wait3A_193 = tpu.memref_slice %arg12[%dma_wait3A_191, %dma_wait3A_192] : memref<10112x128xf32, #tpu.memory_space<vmem_shared>> -> memref<10112x128xf32, #tpu.memory_space<vmem_shared>>
      tpu.wait_indirect_dma semaphore(%arg15 : memref<!tpu.dma_semaphore, #tpu.memory_space<semaphore_mem>>) src(%arg10 : memref<128x128xf32, #tpu.memory_space<vmem>>) dst(%dma_wait3A_193 : memref<10112x128xf32, #tpu.memory_space<vmem_shared>>)
      %dma_wait3A_194 = arith.constant 5 : i32
      %dma_wait3A_195 = arith.constant 0 : i32
      %dma_wait3A_196 = tpu.memref_slice %arg8[%dma_wait3A_194, %dma_wait3A_195] : memref<8x128xi32, #tpu.memory_space<vmem>> -> memref<1x128xi32, #tpu.memory_space<vmem>>
      %dma_wait3A_197 = tpu.memref_squeeze %dma_wait3A_196 : memref<1x128xi32, #tpu.memory_space<vmem>> -> memref<128xi32, #tpu.memory_space<vmem>>
      %dma_wait3A_198 = arith.constant 0 : i32
      %dma_wait3A_199 = arith.constant 0 : i32
      %dma_wait3A_200 = tpu.memref_slice %arg2[%dma_wait3A_198, %dma_wait3A_199] : memref<10000x128xf32, #tpu.memory_space<hbm>> -> memref<10000x128xf32, #tpu.memory_space<hbm>>
      tpu.wait_indirect_dma semaphore(%arg14 : memref<!tpu.dma_semaphore, #tpu.memory_space<semaphore_mem>>) src(%dma_wait3A_200 : memref<10000x128xf32, #tpu.memory_space<hbm>>) dst(%arg11 : memref<128x128xf32, #tpu.memory_space<vmem>>)
      %dma_start3A_201 = arith.constant 6 : i32
      %dma_start3A_202 = arith.constant 0 : i32
      %dma_start3A_203 = tpu.memref_slice %arg8[%dma_start3A_201, %dma_start3A_202] : memref<8x128xi32, #tpu.memory_space<vmem>> -> memref<1x128xi32, #tpu.memory_space<vmem>>
      %dma_start3A_204 = tpu.memref_squeeze %dma_start3A_203 : memref<1x128xi32, #tpu.memory_space<vmem>> -> memref<128xi32, #tpu.memory_space<vmem>>
      %dma_start3A_205 = arith.constant 0 : i32
      %dma_start3A_206 = arith.constant 0 : i32
      %dma_start3A_207 = tpu.memref_slice %arg2[%dma_start3A_205, %dma_start3A_206] : memref<10000x128xf32, #tpu.memory_space<hbm>> -> memref<10000x128xf32, #tpu.memory_space<hbm>>
      tpu.enqueue_indirect_dma source(%dma_start3A_207 : memref<10000x128xf32, #tpu.memory_space<hbm>>) target(%arg10 : memref<128x128xf32, #tpu.memory_space<vmem>>) offsets(%dma_start3A_204 : memref<128xi32, #tpu.memory_space<vmem>>) semaphore(%arg13 : memref<!tpu.dma_semaphore, #tpu.memory_space<semaphore_mem>>)
      %scan3A_208 = arith.constant 0 : i32
      %scan3A_209 = arith.constant 0 : i32
      %scan3A_210 = arith.constant 8 : i32
      %scan3A_211 = arith.addi %scan3A_209, %scan3A_210 : i32
      %scan3A_212 = arith.constant 1 : i32
      scf.for %scan3A_289 = %scan3A_209 to %scan3A_211 step %scan3A_212  : i32 {
        %mul3A_290 = arith.constant 16 : i32
        %mul3A_291 = arith.muli %scan3A_289, %mul3A_290 : i32
        %get3A = arith.constant 5 : i32
        %get3A_292 = arith.index_cast %get3A : i32 to index
        %get3A_293 = arith.index_cast %mul3A_291 : i32 to index
        %get3A_294 = tpu.vector_load %arg9[%get3A_292, %get3A_293] {strides = array<i32>} : memref<8x128xi32, #tpu.memory_space<vmem>>, vector<16xi32>,
        %broadcast_in_dim3A = arith.constant true
        %broadcast_in_dim3A_295 = vector.broadcast %broadcast_in_dim3A : i1 to vector<16xi1>
        %unique3A, %unique3A_296 = tpu.scan_count mask(%broadcast_in_dim3A_295 : vector<16xi1>) value(%get3A_294 : vector<16xi32>) : vector<16xi1>, vector<16xi32>
        %convert_element_type3A = arith.sitofp %unique3A_296 : vector<16xi32> to vector<16xf32>
        tpu.vector_store_idx %arg17[%get3A_294], %convert_element_type3A masked %unique3A {add = true} : memref<10112xf32, #tpu.memory_space<vmem>>[vector<16xi32>], vector<16xf32>, vector<16xi1>
      }
      %scan3A_213 = arith.constant 8 : i32
      %dma_start3A_214 = arith.constant 5 : i32
      %dma_start3A_215 = arith.constant 0 : i32
      %dma_start3A_216 = tpu.memref_slice %arg9[%dma_start3A_214, %dma_start3A_215] : memref<8x128xi32, #tpu.memory_space<vmem>> -> memref<1x128xi32, #tpu.memory_space<vmem>>
      %dma_start3A_217 = tpu.memref_squeeze %dma_start3A_216 : memref<1x128xi32, #tpu.memory_space<vmem>> -> memref<128xi32, #tpu.memory_space<vmem>>
      %dma_start3A_218 = arith.constant 0 : i32
      %dma_start3A_219 = arith.constant 0 : i32
      %dma_start3A_220 = tpu.memref_slice %arg12[%dma_start3A_218, %dma_start3A_219] : memref<10112x128xf32, #tpu.memory_space<vmem_shared>> -> memref<10112x128xf32, #tpu.memory_space<vmem_shared>>
      tpu.enqueue_indirect_dma source(%arg11 : memref<128x128xf32, #tpu.memory_space<vmem>>) target(%dma_start3A_220 : memref<10112x128xf32, #tpu.memory_space<vmem_shared>>) offsets(%dma_start3A_217 : memref<128xi32, #tpu.memory_space<vmem>>) semaphore(%arg16 : memref<!tpu.dma_semaphore, #tpu.memory_space<semaphore_mem>>) {add = true}
      %dma_wait3A_221 = arith.constant 5 : i32
      %dma_wait3A_222 = arith.constant 0 : i32
      %dma_wait3A_223 = tpu.memref_slice %arg9[%dma_wait3A_221, %dma_wait3A_222] : memref<8x128xi32, #tpu.memory_space<vmem>> -> memref<1x128xi32, #tpu.memory_space<vmem>>
      %dma_wait3A_224 = tpu.memref_squeeze %dma_wait3A_223 : memref<1x128xi32, #tpu.memory_space<vmem>> -> memref<128xi32, #tpu.memory_space<vmem>>
      %dma_wait3A_225 = arith.constant 0 : i32
      %dma_wait3A_226 = arith.constant 0 : i32
      %dma_wait3A_227 = tpu.memref_slice %arg12[%dma_wait3A_225, %dma_wait3A_226] : memref<10112x128xf32, #tpu.memory_space<vmem_shared>> -> memref<10112x128xf32, #tpu.memory_space<vmem_shared>>
      tpu.wait_indirect_dma semaphore(%arg16 : memref<!tpu.dma_semaphore, #tpu.memory_space<semaphore_mem>>) src(%arg11 : memref<128x128xf32, #tpu.memory_space<vmem>>) dst(%dma_wait3A_227 : memref<10112x128xf32, #tpu.memory_space<vmem_shared>>)
      %dma_wait3A_228 = arith.constant 6 : i32
      %dma_wait3A_229 = arith.constant 0 : i32
      %dma_wait3A_230 = tpu.memref_slice %arg8[%dma_wait3A_228, %dma_wait3A_229] : memref<8x128xi32, #tpu.memory_space<vmem>> -> memref<1x128xi32, #tpu.memory_space<vmem>>
      %dma_wait3A_231 = tpu.memref_squeeze %dma_wait3A_230 : memref<1x128xi32, #tpu.memory_space<vmem>> -> memref<128xi32, #tpu.memory_space<vmem>>
      %dma_wait3A_232 = arith.constant 0 : i32
      %dma_wait3A_233 = arith.constant 0 : i32
      %dma_wait3A_234 = tpu.memref_slice %arg2[%dma_wait3A_232, %dma_wait3A_233] : memref<10000x128xf32, #tpu.memory_space<hbm>> -> memref<10000x128xf32, #tpu.memory_space<hbm>>
      tpu.wait_indirect_dma semaphore(%arg13 : memref<!tpu.dma_semaphore, #tpu.memory_space<semaphore_mem>>) src(%dma_wait3A_234 : memref<10000x128xf32, #tpu.memory_space<hbm>>) dst(%arg10 : memref<128x128xf32, #tpu.memory_space<vmem>>)
      %dma_start3A_235 = arith.constant 7 : i32
      %dma_start3A_236 = arith.constant 0 : i32
      %dma_start3A_237 = tpu.memref_slice %arg8[%dma_start3A_235, %dma_start3A_236] : memref<8x128xi32, #tpu.memory_space<vmem>> -> memref<1x128xi32, #tpu.memory_space<vmem>>
      %dma_start3A_238 = tpu.memref_squeeze %dma_start3A_237 : memref<1x128xi32, #tpu.memory_space<vmem>> -> memref<128xi32, #tpu.memory_space<vmem>>
      %dma_start3A_239 = arith.constant 0 : i32
      %dma_start3A_240 = arith.constant 0 : i32
      %dma_start3A_241 = tpu.memref_slice %arg2[%dma_start3A_239, %dma_start3A_240] : memref<10000x128xf32, #tpu.memory_space<hbm>> -> memref<10000x128xf32, #tpu.memory_space<hbm>>
      tpu.enqueue_indirect_dma source(%dma_start3A_241 : memref<10000x128xf32, #tpu.memory_space<hbm>>) target(%arg11 : memref<128x128xf32, #tpu.memory_space<vmem>>) offsets(%dma_start3A_238 : memref<128xi32, #tpu.memory_space<vmem>>) semaphore(%arg14 : memref<!tpu.dma_semaphore, #tpu.memory_space<semaphore_mem>>)
      %scan3A_242 = arith.constant 0 : i32
      %scan3A_243 = arith.constant 0 : i32
      %scan3A_244 = arith.constant 8 : i32
      %scan3A_245 = arith.addi %scan3A_243, %scan3A_244 : i32
      %scan3A_246 = arith.constant 1 : i32
      scf.for %scan3A_289 = %scan3A_243 to %scan3A_245 step %scan3A_246  : i32 {
        %mul3A_290 = arith.constant 16 : i32
        %mul3A_291 = arith.muli %scan3A_289, %mul3A_290 : i32
        %get3A = arith.constant 6 : i32
        %get3A_292 = arith.index_cast %get3A : i32 to index
        %get3A_293 = arith.index_cast %mul3A_291 : i32 to index
        %get3A_294 = tpu.vector_load %arg9[%get3A_292, %get3A_293] {strides = array<i32>} : memref<8x128xi32, #tpu.memory_space<vmem>>, vector<16xi32>,
        %broadcast_in_dim3A = arith.constant true
        %broadcast_in_dim3A_295 = vector.broadcast %broadcast_in_dim3A : i1 to vector<16xi1>
        %unique3A, %unique3A_296 = tpu.scan_count mask(%broadcast_in_dim3A_295 : vector<16xi1>) value(%get3A_294 : vector<16xi32>) : vector<16xi1>, vector<16xi32>
        %convert_element_type3A = arith.sitofp %unique3A_296 : vector<16xi32> to vector<16xf32>
        tpu.vector_store_idx %arg17[%get3A_294], %convert_element_type3A masked %unique3A {add = true} : memref<10112xf32, #tpu.memory_space<vmem>>[vector<16xi32>], vector<16xf32>, vector<16xi1>
      }
      %scan3A_247 = arith.constant 8 : i32
      %dma_start3A_248 = arith.constant 6 : i32
      %dma_start3A_249 = arith.constant 0 : i32
      %dma_start3A_250 = tpu.memref_slice %arg9[%dma_start3A_248, %dma_start3A_249] : memref<8x128xi32, #tpu.memory_space<vmem>> -> memref<1x128xi32, #tpu.memory_space<vmem>>
      %dma_start3A_251 = tpu.memref_squeeze %dma_start3A_250 : memref<1x128xi32, #tpu.memory_space<vmem>> -> memref<128xi32, #tpu.memory_space<vmem>>
      %dma_start3A_252 = arith.constant 0 : i32
      %dma_start3A_253 = arith.constant 0 : i32
      %dma_start3A_254 = tpu.memref_slice %arg12[%dma_start3A_252, %dma_start3A_253] : memref<10112x128xf32, #tpu.memory_space<vmem_shared>> -> memref<10112x128xf32, #tpu.memory_space<vmem_shared>>
      tpu.enqueue_indirect_dma source(%arg10 : memref<128x128xf32, #tpu.memory_space<vmem>>) target(%dma_start3A_254 : memref<10112x128xf32, #tpu.memory_space<vmem_shared>>) offsets(%dma_start3A_251 : memref<128xi32, #tpu.memory_space<vmem>>) semaphore(%arg15 : memref<!tpu.dma_semaphore, #tpu.memory_space<semaphore_mem>>) {add = true}
      %dma_wait3A_255 = arith.constant 6 : i32
      %dma_wait3A_256 = arith.constant 0 : i32
      %dma_wait3A_257 = tpu.memref_slice %arg9[%dma_wait3A_255, %dma_wait3A_256] : memref<8x128xi32, #tpu.memory_space<vmem>> -> memref<1x128xi32, #tpu.memory_space<vmem>>
      %dma_wait3A_258 = tpu.memref_squeeze %dma_wait3A_257 : memref<1x128xi32, #tpu.memory_space<vmem>> -> memref<128xi32, #tpu.memory_space<vmem>>
      %dma_wait3A_259 = arith.constant 0 : i32
      %dma_wait3A_260 = arith.constant 0 : i32
      %dma_wait3A_261 = tpu.memref_slice %arg12[%dma_wait3A_259, %dma_wait3A_260] : memref<10112x128xf32, #tpu.memory_space<vmem_shared>> -> memref<10112x128xf32, #tpu.memory_space<vmem_shared>>
      tpu.wait_indirect_dma semaphore(%arg15 : memref<!tpu.dma_semaphore, #tpu.memory_space<semaphore_mem>>) src(%arg10 : memref<128x128xf32, #tpu.memory_space<vmem>>) dst(%dma_wait3A_261 : memref<10112x128xf32, #tpu.memory_space<vmem_shared>>)
      %dma_wait3A_262 = arith.constant 7 : i32
      %dma_wait3A_263 = arith.constant 0 : i32
      %dma_wait3A_264 = tpu.memref_slice %arg8[%dma_wait3A_262, %dma_wait3A_263] : memref<8x128xi32, #tpu.memory_space<vmem>> -> memref<1x128xi32, #tpu.memory_space<vmem>>
      %dma_wait3A_265 = tpu.memref_squeeze %dma_wait3A_264 : memref<1x128xi32, #tpu.memory_space<vmem>> -> memref<128xi32, #tpu.memory_space<vmem>>
      %dma_wait3A_266 = arith.constant 0 : i32
      %dma_wait3A_267 = arith.constant 0 : i32
      %dma_wait3A_268 = tpu.memref_slice %arg2[%dma_wait3A_266, %dma_wait3A_267] : memref<10000x128xf32, #tpu.memory_space<hbm>> -> memref<10000x128xf32, #tpu.memory_space<hbm>>
      tpu.wait_indirect_dma semaphore(%arg14 : memref<!tpu.dma_semaphore, #tpu.memory_space<semaphore_mem>>) src(%dma_wait3A_268 : memref<10000x128xf32, #tpu.memory_space<hbm>>) dst(%arg11 : memref<128x128xf32, #tpu.memory_space<vmem>>)
      %scan3A_269 = arith.constant 0 : i32
      %scan3A_270 = arith.constant 0 : i32
      %scan3A_271 = arith.constant 8 : i32
      %scan3A_272 = arith.addi %scan3A_270, %scan3A_271 : i32
      %scan3A_273 = arith.constant 1 : i32
      scf.for %scan3A_289 = %scan3A_270 to %scan3A_272 step %scan3A_273  : i32 {
        %mul3A_290 = arith.constant 16 : i32
        %mul3A_291 = arith.muli %scan3A_289, %mul3A_290 : i32
        %get3A = arith.constant 7 : i32
        %get3A_292 = arith.index_cast %get3A : i32 to index
        %get3A_293 = arith.index_cast %mul3A_291 : i32 to index
        %get3A_294 = tpu.vector_load %arg9[%get3A_292, %get3A_293] {strides = array<i32>} : memref<8x128xi32, #tpu.memory_space<vmem>>, vector<16xi32>,
        %broadcast_in_dim3A = arith.constant true
        %broadcast_in_dim3A_295 = vector.broadcast %broadcast_in_dim3A : i1 to vector<16xi1>
        %unique3A, %unique3A_296 = tpu.scan_count mask(%broadcast_in_dim3A_295 : vector<16xi1>) value(%get3A_294 : vector<16xi32>) : vector<16xi1>, vector<16xi32>
        %convert_element_type3A = arith.sitofp %unique3A_296 : vector<16xi32> to vector<16xf32>
        tpu.vector_store_idx %arg17[%get3A_294], %convert_element_type3A masked %unique3A {add = true} : memref<10112xf32, #tpu.memory_space<vmem>>[vector<16xi32>], vector<16xf32>, vector<16xi1>
      }
      %scan3A_274 = arith.constant 8 : i32
      %dma_start3A_275 = arith.constant 7 : i32
      %dma_start3A_276 = arith.constant 0 : i32
      %dma_start3A_277 = tpu.memref_slice %arg9[%dma_start3A_275, %dma_start3A_276] : memref<8x128xi32, #tpu.memory_space<vmem>> -> memref<1x128xi32, #tpu.memory_space<vmem>>
      %dma_start3A_278 = tpu.memref_squeeze %dma_start3A_277 : memref<1x128xi32, #tpu.memory_space<vmem>> -> memref<128xi32, #tpu.memory_space<vmem>>
      %dma_start3A_279 = arith.constant 0 : i32
      %dma_start3A_280 = arith.constant 0 : i32
      %dma_start3A_281 = tpu.memref_slice %arg12[%dma_start3A_279, %dma_start3A_280] : memref<10112x128xf32, #tpu.memory_space<vmem_shared>> -> memref<10112x128xf32, #tpu.memory_space<vmem_shared>>
      tpu.enqueue_indirect_dma source(%arg11 : memref<128x128xf32, #tpu.memory_space<vmem>>) target(%dma_start3A_281 : memref<10112x128xf32, #tpu.memory_space<vmem_shared>>) offsets(%dma_start3A_278 : memref<128xi32, #tpu.memory_space<vmem>>) semaphore(%arg16 : memref<!tpu.dma_semaphore, #tpu.memory_space<semaphore_mem>>) {add = true}
      %dma_wait3A_282 = arith.constant 7 : i32
      %dma_wait3A_283 = arith.constant 0 : i32
      %dma_wait3A_284 = tpu.memref_slice %arg9[%dma_wait3A_282, %dma_wait3A_283] : memref<8x128xi32, #tpu.memory_space<vmem>> -> memref<1x128xi32, #tpu.memory_space<vmem>>
      %dma_wait3A_285 = tpu.memref_squeeze %dma_wait3A_284 : memref<1x128xi32, #tpu.memory_space<vmem>> -> memref<128xi32, #tpu.memory_space<vmem>>
      %dma_wait3A_286 = arith.constant 0 : i32
      %dma_wait3A_287 = arith.constant 0 : i32
      %dma_wait3A_288 = tpu.memref_slice %arg12[%dma_wait3A_286, %dma_wait3A_287] : memref<10112x128xf32, #tpu.memory_space<vmem_shared>> -> memref<10112x128xf32, #tpu.memory_space<vmem_shared>>
      tpu.wait_indirect_dma semaphore(%arg16 : memref<!tpu.dma_semaphore, #tpu.memory_space<semaphore_mem>>) src(%arg11 : memref<128x128xf32, #tpu.memory_space<vmem>>) dst(%dma_wait3A_288 : memref<10112x128xf32, #tpu.memory_space<vmem_shared>>)
    }
    %scan3A_13 = arith.constant 10 : i32
    %barrier3A_14 = arith.constant 0 : index
    tpu.barrier barrier_id(%barrier3A_14)
    "tpu.region"() ({
      %run_scoped3A = tpu.sem_alloc : memref<!tpu.dma_semaphore, #tpu.memory_space<semaphore_mem>>
      %dma_start3A = arith.constant 0 : i32
      %dma_start3A_15 = tpu.memref_slice %arg6[%arg0, %mul3A_2, %dma_start3A] : memref<2x10112x128xf32, #tpu.memory_space<hbm>> -> memref<1x632x128xf32, #tpu.memory_space<hbm>>
      %dma_start3A_16 = tpu.memref_squeeze %dma_start3A_15 : memref<1x632x128xf32, #tpu.memory_space<hbm>> -> memref<632x128xf32, #tpu.memory_space<hbm>>
      %dma_start3A_17 = arith.constant 0 : i32
      %dma_start3A_18 = tpu.memref_slice %arg12[%mul3A_2, %dma_start3A_17] : memref<10112x128xf32, #tpu.memory_space<vmem_shared>> -> memref<632x128xf32, #tpu.memory_space<vmem_shared>>
      tpu.enqueue_dma source(%dma_start3A_18 : memref<632x128xf32, #tpu.memory_space<vmem_shared>>) target(%dma_start3A_16 : memref<632x128xf32, #tpu.memory_space<hbm>>) target_semaphore(%run_scoped3A : memref<!tpu.dma_semaphore, #tpu.memory_space<semaphore_mem>>)
      %dma_wait3A = arith.constant 0 : i32
      %dma_wait3A_19 = tpu.memref_slice %arg6[%arg0, %mul3A_2, %dma_wait3A] : memref<2x10112x128xf32, #tpu.memory_space<hbm>> -> memref<1x632x128xf32, #tpu.memory_space<hbm>>
      %dma_wait3A_20 = tpu.memref_squeeze %dma_wait3A_19 : memref<1x632x128xf32, #tpu.memory_space<hbm>> -> memref<632x128xf32, #tpu.memory_space<hbm>>
      %dma_wait3A_21 = arith.constant 0 : i32
      %dma_wait3A_22 = tpu.memref_slice %arg12[%mul3A_2, %dma_wait3A_21] : memref<10112x128xf32, #tpu.memory_space<vmem_shared>> -> memref<632x128xf32, #tpu.memory_space<vmem_shared>>
      tpu.wait_dma2 semaphore(%run_scoped3A : memref<!tpu.dma_semaphore, #tpu.memory_space<semaphore_mem>>) src(%dma_wait3A_22 : memref<632x128xf32, #tpu.memory_space<vmem_shared>>) dst(%dma_wait3A_20 : memref<632x128xf32, #tpu.memory_space<hbm>>)
      tpu.yield
    }) : () -> ()
    "tpu.region"() ({
      %run_scoped3A = tpu.sem_alloc : memref<!tpu.dma_semaphore, #tpu.memory_space<semaphore_mem>>
      %dma_start3A = arith.constant 0 : i32
      %dma_start3A_15 = tpu.memref_slice %arg7[%add3A, %dma_start3A] : memref<32x10112xf32, #tpu.memory_space<hbm>> -> memref<1x10112xf32, #tpu.memory_space<hbm>>
      %dma_start3A_16 = tpu.memref_squeeze %dma_start3A_15 : memref<1x10112xf32, #tpu.memory_space<hbm>> -> memref<10112xf32, #tpu.memory_space<hbm>>
      %dma_start3A_17 = arith.constant 0 : i32
      %dma_start3A_18 = tpu.memref_slice %arg7[%add3A, %dma_start3A_17] : memref<32x10112xf32, #tpu.memory_space<hbm>> -> memref<1x10112xf32, #tpu.memory_space<hbm>>
      %dma_start3A_19 = tpu.memref_squeeze %dma_start3A_18 : memref<1x10112xf32, #tpu.memory_space<hbm>> -> memref<10112xf32, #tpu.memory_space<hbm>>
      tpu.enqueue_dma source(%arg17 : memref<10112xf32, #tpu.memory_space<vmem>>) target(%dma_start3A_19 : memref<10112xf32, #tpu.memory_space<hbm>>) target_semaphore(%run_scoped3A : memref<!tpu.dma_semaphore, #tpu.memory_space<semaphore_mem>>)
      %dma_wait3A = arith.constant 0 : i32
      %dma_wait3A_20 = tpu.memref_slice %arg7[%add3A, %dma_wait3A] : memref<32x10112xf32, #tpu.memory_space<hbm>> -> memref<1x10112xf32, #tpu.memory_space<hbm>>
      %dma_wait3A_21 = tpu.memref_squeeze %dma_wait3A_20 : memref<1x10112xf32, #tpu.memory_space<hbm>> -> memref<10112xf32, #tpu.memory_space<hbm>>
      %dma_wait3A_22 = arith.constant 0 : i32
      %dma_wait3A_23 = tpu.memref_slice %arg7[%add3A, %dma_wait3A_22] : memref<32x10112xf32, #tpu.memory_space<hbm>> -> memref<1x10112xf32, #tpu.memory_space<hbm>>
      %dma_wait3A_24 = tpu.memref_squeeze %dma_wait3A_23 : memref<1x10112xf32, #tpu.memory_space<hbm>> -> memref<10112xf32, #tpu.memory_space<hbm>>
      tpu.wait_dma2 semaphore(%run_scoped3A : memref<!tpu.dma_semaphore, #tpu.memory_space<semaphore_mem>>) src(%arg17 : memref<10112xf32, #tpu.memory_space<vmem>>) dst(%dma_wait3A_24 : memref<10112xf32, #tpu.memory_space<hbm>>)
      tpu.yield
    }) : () -> ()
    return
  }
}

#map = affine_map<(d0, d1) -> (0, 0)>
#map1 = affine_map<(d0, d1) -> (0, 0, 0)>
module attributes {stable_mosaic.version = 14 : i64} {
  func.func @sc_agg(%arg0: i32, %arg1: i32, %arg2: memref<10000x128xf32, #tpu.memory_space<hbm>>, %arg3: memref<320x8x128xi32, #tpu.memory_space<hbm>>, %arg4: memref<320x8x128xi32, #tpu.memory_space<hbm>>, %arg5: memref<10112x128xf32, #tpu.memory_space<hbm>>, %arg6: memref<2x10112x128xf32, #tpu.memory_space<hbm>>, %arg7: memref<8x128xi32, #tpu.memory_space<vmem>>, %arg8: memref<8x128xi32, #tpu.memory_space<vmem>>, %arg9: memref<128x128xf32, #tpu.memory_space<vmem>>, %arg10: memref<128x128xf32, #tpu.memory_space<vmem>>, %arg11: memref<10112x128xf32, #tpu.memory_space<vmem_shared>>, %arg12: memref<!tpu.dma_semaphore, #tpu.memory_space<semaphore_mem>>, %arg13: memref<!tpu.dma_semaphore, #tpu.memory_space<semaphore_mem>>, %arg14: memref<!tpu.dma_semaphore, #tpu.memory_space<semaphore_mem>>, %arg15: memref<!tpu.dma_semaphore, #tpu.memory_space<semaphore_mem>>) attributes {dimension_semantics = [#tpu.dimension_semantics<core_parallel>, #tpu.dimension_semantics<subcore_parallel>], iteration_bounds = array<i64: 2, 16>, scalar_prefetch = 0 : i64, scratch_operands = 9 : i64, tpu.core_type = #tpu.core_type<sc_vector_subcore>, window_params = [{transform_indices = #map}, {transform_indices = #map1}, {transform_indices = #map1}, {transform_indices = #map}, {transform_indices = #map1}]} {
    %mul3A = arith.constant 16 : i32
    %mul3A_0 = arith.muli %arg0, %mul3A : i32
    %add3A = arith.addi %mul3A_0, %arg1 : i32
    %mul3A_1 = arith.constant 632 : i32
    %mul3A_2 = arith.muli %arg1, %mul3A_1 : i32
    "tpu.region"() ({
      %run_scoped3A = tpu.sem_alloc : memref<!tpu.dma_semaphore, #tpu.memory_space<semaphore_mem>>
      %dma_start3A = arith.constant 0 : i32
      %dma_start3A_9 = tpu.memref_slice %arg11[%mul3A_2, %dma_start3A] : memref<10112x128xf32, #tpu.memory_space<vmem_shared>> -> memref<632x128xf32, #tpu.memory_space<vmem_shared>>
      %dma_start3A_10 = arith.constant 0 : i32
      %dma_start3A_11 = tpu.memref_slice %arg5[%mul3A_2, %dma_start3A_10] : memref<10112x128xf32, #tpu.memory_space<hbm>> -> memref<632x128xf32, #tpu.memory_space<hbm>>
      tpu.enqueue_dma source(%dma_start3A_11 : memref<632x128xf32, #tpu.memory_space<hbm>>) target(%dma_start3A_9 : memref<632x128xf32, #tpu.memory_space<vmem_shared>>) target_semaphore(%run_scoped3A : memref<!tpu.dma_semaphore, #tpu.memory_space<semaphore_mem>>)
      %dma_wait3A = arith.constant 0 : i32
      %dma_wait3A_12 = tpu.memref_slice %arg11[%mul3A_2, %dma_wait3A] : memref<10112x128xf32, #tpu.memory_space<vmem_shared>> -> memref<632x128xf32, #tpu.memory_space<vmem_shared>>
      %dma_wait3A_13 = arith.constant 0 : i32
      %dma_wait3A_14 = tpu.memref_slice %arg5[%mul3A_2, %dma_wait3A_13] : memref<10112x128xf32, #tpu.memory_space<hbm>> -> memref<632x128xf32, #tpu.memory_space<hbm>>
      tpu.wait_dma2 semaphore(%run_scoped3A : memref<!tpu.dma_semaphore, #tpu.memory_space<semaphore_mem>>) src(%dma_wait3A_14 : memref<632x128xf32, #tpu.memory_space<hbm>>) dst(%dma_wait3A_12 : memref<632x128xf32, #tpu.memory_space<vmem_shared>>)
      tpu.yield
    }) : () -> ()
    %barrier3A = arith.constant 0 : index
    tpu.barrier barrier_id(%barrier3A)
    %scan3A = arith.constant 0 : i32
    %scan3A_3 = arith.constant 0 : i32
    %scan3A_4 = arith.constant 10 : i32
    %scan3A_5 = arith.addi %scan3A_3, %scan3A_4 : i32
    %scan3A_6 = arith.constant 1 : i32
    scf.for %scan3A_9 = %scan3A_3 to %scan3A_5 step %scan3A_6  : i32 {
      %mul3A_10 = arith.constant 10 : i32
      %mul3A_11 = arith.muli %add3A, %mul3A_10 : i32
      %add3A_12 = arith.addi %mul3A_11, %scan3A_9 : i32
      "tpu.region"() ({
        %run_scoped3A = tpu.sem_alloc : memref<!tpu.dma_semaphore, #tpu.memory_space<semaphore_mem>>
        %dma_start3A_235 = arith.constant 0 : i32
        %dma_start3A_236 = arith.constant 0 : i32
        %dma_start3A_237 = tpu.memref_slice %arg3[%add3A_12, %dma_start3A_235, %dma_start3A_236] : memref<320x8x128xi32, #tpu.memory_space<hbm>> -> memref<1x8x128xi32, #tpu.memory_space<hbm>>
        %dma_start3A_238 = tpu.memref_squeeze %dma_start3A_237 : memref<1x8x128xi32, #tpu.memory_space<hbm>> -> memref<8x128xi32, #tpu.memory_space<hbm>>
        %dma_start3A_239 = arith.constant 0 : i32
        %dma_start3A_240 = arith.constant 0 : i32
        %dma_start3A_241 = tpu.memref_slice %arg3[%add3A_12, %dma_start3A_239, %dma_start3A_240] : memref<320x8x128xi32, #tpu.memory_space<hbm>> -> memref<1x8x128xi32, #tpu.memory_space<hbm>>
        %dma_start3A_242 = tpu.memref_squeeze %dma_start3A_241 : memref<1x8x128xi32, #tpu.memory_space<hbm>> -> memref<8x128xi32, #tpu.memory_space<hbm>>
        tpu.enqueue_dma source(%dma_start3A_242 : memref<8x128xi32, #tpu.memory_space<hbm>>) target(%arg7 : memref<8x128xi32, #tpu.memory_space<vmem>>) target_semaphore(%run_scoped3A : memref<!tpu.dma_semaphore, #tpu.memory_space<semaphore_mem>>)
        %dma_wait3A_243 = arith.constant 0 : i32
        %dma_wait3A_244 = arith.constant 0 : i32
        %dma_wait3A_245 = tpu.memref_slice %arg3[%add3A_12, %dma_wait3A_243, %dma_wait3A_244] : memref<320x8x128xi32, #tpu.memory_space<hbm>> -> memref<1x8x128xi32, #tpu.memory_space<hbm>>
        %dma_wait3A_246 = tpu.memref_squeeze %dma_wait3A_245 : memref<1x8x128xi32, #tpu.memory_space<hbm>> -> memref<8x128xi32, #tpu.memory_space<hbm>>
        %dma_wait3A_247 = arith.constant 0 : i32
        %dma_wait3A_248 = arith.constant 0 : i32
        %dma_wait3A_249 = tpu.memref_slice %arg3[%add3A_12, %dma_wait3A_247, %dma_wait3A_248] : memref<320x8x128xi32, #tpu.memory_space<hbm>> -> memref<1x8x128xi32, #tpu.memory_space<hbm>>
        %dma_wait3A_250 = tpu.memref_squeeze %dma_wait3A_249 : memref<1x8x128xi32, #tpu.memory_space<hbm>> -> memref<8x128xi32, #tpu.memory_space<hbm>>
        tpu.wait_dma2 semaphore(%run_scoped3A : memref<!tpu.dma_semaphore, #tpu.memory_space<semaphore_mem>>) src(%dma_wait3A_250 : memref<8x128xi32, #tpu.memory_space<hbm>>) dst(%arg7 : memref<8x128xi32, #tpu.memory_space<vmem>>)
        tpu.yield
      }) : () -> ()
      "tpu.region"() ({
        %run_scoped3A = tpu.sem_alloc : memref<!tpu.dma_semaphore, #tpu.memory_space<semaphore_mem>>
        %dma_start3A_235 = arith.constant 0 : i32
        %dma_start3A_236 = arith.constant 0 : i32
        %dma_start3A_237 = tpu.memref_slice %arg4[%add3A_12, %dma_start3A_235, %dma_start3A_236] : memref<320x8x128xi32, #tpu.memory_space<hbm>> -> memref<1x8x128xi32, #tpu.memory_space<hbm>>
        %dma_start3A_238 = tpu.memref_squeeze %dma_start3A_237 : memref<1x8x128xi32, #tpu.memory_space<hbm>> -> memref<8x128xi32, #tpu.memory_space<hbm>>
        %dma_start3A_239 = arith.constant 0 : i32
        %dma_start3A_240 = arith.constant 0 : i32
        %dma_start3A_241 = tpu.memref_slice %arg4[%add3A_12, %dma_start3A_239, %dma_start3A_240] : memref<320x8x128xi32, #tpu.memory_space<hbm>> -> memref<1x8x128xi32, #tpu.memory_space<hbm>>
        %dma_start3A_242 = tpu.memref_squeeze %dma_start3A_241 : memref<1x8x128xi32, #tpu.memory_space<hbm>> -> memref<8x128xi32, #tpu.memory_space<hbm>>
        tpu.enqueue_dma source(%dma_start3A_242 : memref<8x128xi32, #tpu.memory_space<hbm>>) target(%arg8 : memref<8x128xi32, #tpu.memory_space<vmem>>) target_semaphore(%run_scoped3A : memref<!tpu.dma_semaphore, #tpu.memory_space<semaphore_mem>>)
        %dma_wait3A_243 = arith.constant 0 : i32
        %dma_wait3A_244 = arith.constant 0 : i32
        %dma_wait3A_245 = tpu.memref_slice %arg4[%add3A_12, %dma_wait3A_243, %dma_wait3A_244] : memref<320x8x128xi32, #tpu.memory_space<hbm>> -> memref<1x8x128xi32, #tpu.memory_space<hbm>>
        %dma_wait3A_246 = tpu.memref_squeeze %dma_wait3A_245 : memref<1x8x128xi32, #tpu.memory_space<hbm>> -> memref<8x128xi32, #tpu.memory_space<hbm>>
        %dma_wait3A_247 = arith.constant 0 : i32
        %dma_wait3A_248 = arith.constant 0 : i32
        %dma_wait3A_249 = tpu.memref_slice %arg4[%add3A_12, %dma_wait3A_247, %dma_wait3A_248] : memref<320x8x128xi32, #tpu.memory_space<hbm>> -> memref<1x8x128xi32, #tpu.memory_space<hbm>>
        %dma_wait3A_250 = tpu.memref_squeeze %dma_wait3A_249 : memref<1x8x128xi32, #tpu.memory_space<hbm>> -> memref<8x128xi32, #tpu.memory_space<hbm>>
        tpu.wait_dma2 semaphore(%run_scoped3A : memref<!tpu.dma_semaphore, #tpu.memory_space<semaphore_mem>>) src(%dma_wait3A_250 : memref<8x128xi32, #tpu.memory_space<hbm>>) dst(%arg8 : memref<8x128xi32, #tpu.memory_space<vmem>>)
        tpu.yield
      }) : () -> ()
      %dma_start3A = arith.constant 0 : i32
      %dma_start3A_13 = arith.constant 0 : i32
      %dma_start3A_14 = tpu.memref_slice %arg7[%dma_start3A, %dma_start3A_13] : memref<8x128xi32, #tpu.memory_space<vmem>> -> memref<1x128xi32, #tpu.memory_space<vmem>>
      %dma_start3A_15 = tpu.memref_squeeze %dma_start3A_14 : memref<1x128xi32, #tpu.memory_space<vmem>> -> memref<128xi32, #tpu.memory_space<vmem>>
      %dma_start3A_16 = arith.constant 0 : i32
      %dma_start3A_17 = arith.constant 0 : i32
      %dma_start3A_18 = tpu.memref_slice %arg2[%dma_start3A_16, %dma_start3A_17] : memref<10000x128xf32, #tpu.memory_space<hbm>> -> memref<10000x128xf32, #tpu.memory_space<hbm>>
      tpu.enqueue_indirect_dma source(%dma_start3A_18 : memref<10000x128xf32, #tpu.memory_space<hbm>>) target(%arg9 : memref<128x128xf32, #tpu.memory_space<vmem>>) offsets(%dma_start3A_15 : memref<128xi32, #tpu.memory_space<vmem>>) semaphore(%arg12 : memref<!tpu.dma_semaphore, #tpu.memory_space<semaphore_mem>>)
      %dma_wait3A = arith.constant 0 : i32
      %dma_wait3A_19 = arith.constant 0 : i32
      %dma_wait3A_20 = tpu.memref_slice %arg7[%dma_wait3A, %dma_wait3A_19] : memref<8x128xi32, #tpu.memory_space<vmem>> -> memref<1x128xi32, #tpu.memory_space<vmem>>
      %dma_wait3A_21 = tpu.memref_squeeze %dma_wait3A_20 : memref<1x128xi32, #tpu.memory_space<vmem>> -> memref<128xi32, #tpu.memory_space<vmem>>
      %dma_wait3A_22 = arith.constant 0 : i32
      %dma_wait3A_23 = arith.constant 0 : i32
      %dma_wait3A_24 = tpu.memref_slice %arg2[%dma_wait3A_22, %dma_wait3A_23] : memref<10000x128xf32, #tpu.memory_space<hbm>> -> memref<10000x128xf32, #tpu.memory_space<hbm>>
      tpu.wait_indirect_dma semaphore(%arg12 : memref<!tpu.dma_semaphore, #tpu.memory_space<semaphore_mem>>) src(%dma_wait3A_24 : memref<10000x128xf32, #tpu.memory_space<hbm>>) dst(%arg9 : memref<128x128xf32, #tpu.memory_space<vmem>>)
      %dma_start3A_25 = arith.constant 1 : i32
      %dma_start3A_26 = arith.constant 0 : i32
      %dma_start3A_27 = tpu.memref_slice %arg7[%dma_start3A_25, %dma_start3A_26] : memref<8x128xi32, #tpu.memory_space<vmem>> -> memref<1x128xi32, #tpu.memory_space<vmem>>
      %dma_start3A_28 = tpu.memref_squeeze %dma_start3A_27 : memref<1x128xi32, #tpu.memory_space<vmem>> -> memref<128xi32, #tpu.memory_space<vmem>>
      %dma_start3A_29 = arith.constant 0 : i32
      %dma_start3A_30 = arith.constant 0 : i32
      %dma_start3A_31 = tpu.memref_slice %arg2[%dma_start3A_29, %dma_start3A_30] : memref<10000x128xf32, #tpu.memory_space<hbm>> -> memref<10000x128xf32, #tpu.memory_space<hbm>>
      tpu.enqueue_indirect_dma source(%dma_start3A_31 : memref<10000x128xf32, #tpu.memory_space<hbm>>) target(%arg10 : memref<128x128xf32, #tpu.memory_space<vmem>>) offsets(%dma_start3A_28 : memref<128xi32, #tpu.memory_space<vmem>>) semaphore(%arg13 : memref<!tpu.dma_semaphore, #tpu.memory_space<semaphore_mem>>)
      %dma_start3A_32 = arith.constant 0 : i32
      %dma_start3A_33 = arith.constant 0 : i32
      %dma_start3A_34 = tpu.memref_slice %arg8[%dma_start3A_32, %dma_start3A_33] : memref<8x128xi32, #tpu.memory_space<vmem>> -> memref<1x128xi32, #tpu.memory_space<vmem>>
      %dma_start3A_35 = tpu.memref_squeeze %dma_start3A_34 : memref<1x128xi32, #tpu.memory_space<vmem>> -> memref<128xi32, #tpu.memory_space<vmem>>
      %dma_start3A_36 = arith.constant 0 : i32
      %dma_start3A_37 = arith.constant 0 : i32
      %dma_start3A_38 = tpu.memref_slice %arg11[%dma_start3A_36, %dma_start3A_37] : memref<10112x128xf32, #tpu.memory_space<vmem_shared>> -> memref<10112x128xf32, #tpu.memory_space<vmem_shared>>
      tpu.enqueue_indirect_dma source(%arg9 : memref<128x128xf32, #tpu.memory_space<vmem>>) target(%dma_start3A_38 : memref<10112x128xf32, #tpu.memory_space<vmem_shared>>) offsets(%dma_start3A_35 : memref<128xi32, #tpu.memory_space<vmem>>) semaphore(%arg14 : memref<!tpu.dma_semaphore, #tpu.memory_space<semaphore_mem>>) {add = true}
      %dma_wait3A_39 = arith.constant 0 : i32
      %dma_wait3A_40 = arith.constant 0 : i32
      %dma_wait3A_41 = tpu.memref_slice %arg8[%dma_wait3A_39, %dma_wait3A_40] : memref<8x128xi32, #tpu.memory_space<vmem>> -> memref<1x128xi32, #tpu.memory_space<vmem>>
      %dma_wait3A_42 = tpu.memref_squeeze %dma_wait3A_41 : memref<1x128xi32, #tpu.memory_space<vmem>> -> memref<128xi32, #tpu.memory_space<vmem>>
      %dma_wait3A_43 = arith.constant 0 : i32
      %dma_wait3A_44 = arith.constant 0 : i32
      %dma_wait3A_45 = tpu.memref_slice %arg11[%dma_wait3A_43, %dma_wait3A_44] : memref<10112x128xf32, #tpu.memory_space<vmem_shared>> -> memref<10112x128xf32, #tpu.memory_space<vmem_shared>>
      tpu.wait_indirect_dma semaphore(%arg14 : memref<!tpu.dma_semaphore, #tpu.memory_space<semaphore_mem>>) src(%arg9 : memref<128x128xf32, #tpu.memory_space<vmem>>) dst(%dma_wait3A_45 : memref<10112x128xf32, #tpu.memory_space<vmem_shared>>)
      %dma_wait3A_46 = arith.constant 1 : i32
      %dma_wait3A_47 = arith.constant 0 : i32
      %dma_wait3A_48 = tpu.memref_slice %arg7[%dma_wait3A_46, %dma_wait3A_47] : memref<8x128xi32, #tpu.memory_space<vmem>> -> memref<1x128xi32, #tpu.memory_space<vmem>>
      %dma_wait3A_49 = tpu.memref_squeeze %dma_wait3A_48 : memref<1x128xi32, #tpu.memory_space<vmem>> -> memref<128xi32, #tpu.memory_space<vmem>>
      %dma_wait3A_50 = arith.constant 0 : i32
      %dma_wait3A_51 = arith.constant 0 : i32
      %dma_wait3A_52 = tpu.memref_slice %arg2[%dma_wait3A_50, %dma_wait3A_51] : memref<10000x128xf32, #tpu.memory_space<hbm>> -> memref<10000x128xf32, #tpu.memory_space<hbm>>
      tpu.wait_indirect_dma semaphore(%arg13 : memref<!tpu.dma_semaphore, #tpu.memory_space<semaphore_mem>>) src(%dma_wait3A_52 : memref<10000x128xf32, #tpu.memory_space<hbm>>) dst(%arg10 : memref<128x128xf32, #tpu.memory_space<vmem>>)
      %dma_start3A_53 = arith.constant 2 : i32
      %dma_start3A_54 = arith.constant 0 : i32
      %dma_start3A_55 = tpu.memref_slice %arg7[%dma_start3A_53, %dma_start3A_54] : memref<8x128xi32, #tpu.memory_space<vmem>> -> memref<1x128xi32, #tpu.memory_space<vmem>>
      %dma_start3A_56 = tpu.memref_squeeze %dma_start3A_55 : memref<1x128xi32, #tpu.memory_space<vmem>> -> memref<128xi32, #tpu.memory_space<vmem>>
      %dma_start3A_57 = arith.constant 0 : i32
      %dma_start3A_58 = arith.constant 0 : i32
      %dma_start3A_59 = tpu.memref_slice %arg2[%dma_start3A_57, %dma_start3A_58] : memref<10000x128xf32, #tpu.memory_space<hbm>> -> memref<10000x128xf32, #tpu.memory_space<hbm>>
      tpu.enqueue_indirect_dma source(%dma_start3A_59 : memref<10000x128xf32, #tpu.memory_space<hbm>>) target(%arg9 : memref<128x128xf32, #tpu.memory_space<vmem>>) offsets(%dma_start3A_56 : memref<128xi32, #tpu.memory_space<vmem>>) semaphore(%arg12 : memref<!tpu.dma_semaphore, #tpu.memory_space<semaphore_mem>>)
      %dma_start3A_60 = arith.constant 1 : i32
      %dma_start3A_61 = arith.constant 0 : i32
      %dma_start3A_62 = tpu.memref_slice %arg8[%dma_start3A_60, %dma_start3A_61] : memref<8x128xi32, #tpu.memory_space<vmem>> -> memref<1x128xi32, #tpu.memory_space<vmem>>
      %dma_start3A_63 = tpu.memref_squeeze %dma_start3A_62 : memref<1x128xi32, #tpu.memory_space<vmem>> -> memref<128xi32, #tpu.memory_space<vmem>>
      %dma_start3A_64 = arith.constant 0 : i32
      %dma_start3A_65 = arith.constant 0 : i32
      %dma_start3A_66 = tpu.memref_slice %arg11[%dma_start3A_64, %dma_start3A_65] : memref<10112x128xf32, #tpu.memory_space<vmem_shared>> -> memref<10112x128xf32, #tpu.memory_space<vmem_shared>>
      tpu.enqueue_indirect_dma source(%arg10 : memref<128x128xf32, #tpu.memory_space<vmem>>) target(%dma_start3A_66 : memref<10112x128xf32, #tpu.memory_space<vmem_shared>>) offsets(%dma_start3A_63 : memref<128xi32, #tpu.memory_space<vmem>>) semaphore(%arg15 : memref<!tpu.dma_semaphore, #tpu.memory_space<semaphore_mem>>) {add = true}
      %dma_wait3A_67 = arith.constant 1 : i32
      %dma_wait3A_68 = arith.constant 0 : i32
      %dma_wait3A_69 = tpu.memref_slice %arg8[%dma_wait3A_67, %dma_wait3A_68] : memref<8x128xi32, #tpu.memory_space<vmem>> -> memref<1x128xi32, #tpu.memory_space<vmem>>
      %dma_wait3A_70 = tpu.memref_squeeze %dma_wait3A_69 : memref<1x128xi32, #tpu.memory_space<vmem>> -> memref<128xi32, #tpu.memory_space<vmem>>
      %dma_wait3A_71 = arith.constant 0 : i32
      %dma_wait3A_72 = arith.constant 0 : i32
      %dma_wait3A_73 = tpu.memref_slice %arg11[%dma_wait3A_71, %dma_wait3A_72] : memref<10112x128xf32, #tpu.memory_space<vmem_shared>> -> memref<10112x128xf32, #tpu.memory_space<vmem_shared>>
      tpu.wait_indirect_dma semaphore(%arg15 : memref<!tpu.dma_semaphore, #tpu.memory_space<semaphore_mem>>) src(%arg10 : memref<128x128xf32, #tpu.memory_space<vmem>>) dst(%dma_wait3A_73 : memref<10112x128xf32, #tpu.memory_space<vmem_shared>>)
      %dma_wait3A_74 = arith.constant 2 : i32
      %dma_wait3A_75 = arith.constant 0 : i32
      %dma_wait3A_76 = tpu.memref_slice %arg7[%dma_wait3A_74, %dma_wait3A_75] : memref<8x128xi32, #tpu.memory_space<vmem>> -> memref<1x128xi32, #tpu.memory_space<vmem>>
      %dma_wait3A_77 = tpu.memref_squeeze %dma_wait3A_76 : memref<1x128xi32, #tpu.memory_space<vmem>> -> memref<128xi32, #tpu.memory_space<vmem>>
      %dma_wait3A_78 = arith.constant 0 : i32
      %dma_wait3A_79 = arith.constant 0 : i32
      %dma_wait3A_80 = tpu.memref_slice %arg2[%dma_wait3A_78, %dma_wait3A_79] : memref<10000x128xf32, #tpu.memory_space<hbm>> -> memref<10000x128xf32, #tpu.memory_space<hbm>>
      tpu.wait_indirect_dma semaphore(%arg12 : memref<!tpu.dma_semaphore, #tpu.memory_space<semaphore_mem>>) src(%dma_wait3A_80 : memref<10000x128xf32, #tpu.memory_space<hbm>>) dst(%arg9 : memref<128x128xf32, #tpu.memory_space<vmem>>)
      %dma_start3A_81 = arith.constant 3 : i32
      %dma_start3A_82 = arith.constant 0 : i32
      %dma_start3A_83 = tpu.memref_slice %arg7[%dma_start3A_81, %dma_start3A_82] : memref<8x128xi32, #tpu.memory_space<vmem>> -> memref<1x128xi32, #tpu.memory_space<vmem>>
      %dma_start3A_84 = tpu.memref_squeeze %dma_start3A_83 : memref<1x128xi32, #tpu.memory_space<vmem>> -> memref<128xi32, #tpu.memory_space<vmem>>
      %dma_start3A_85 = arith.constant 0 : i32
      %dma_start3A_86 = arith.constant 0 : i32
      %dma_start3A_87 = tpu.memref_slice %arg2[%dma_start3A_85, %dma_start3A_86] : memref<10000x128xf32, #tpu.memory_space<hbm>> -> memref<10000x128xf32, #tpu.memory_space<hbm>>
      tpu.enqueue_indirect_dma source(%dma_start3A_87 : memref<10000x128xf32, #tpu.memory_space<hbm>>) target(%arg10 : memref<128x128xf32, #tpu.memory_space<vmem>>) offsets(%dma_start3A_84 : memref<128xi32, #tpu.memory_space<vmem>>) semaphore(%arg13 : memref<!tpu.dma_semaphore, #tpu.memory_space<semaphore_mem>>)
      %dma_start3A_88 = arith.constant 2 : i32
      %dma_start3A_89 = arith.constant 0 : i32
      %dma_start3A_90 = tpu.memref_slice %arg8[%dma_start3A_88, %dma_start3A_89] : memref<8x128xi32, #tpu.memory_space<vmem>> -> memref<1x128xi32, #tpu.memory_space<vmem>>
      %dma_start3A_91 = tpu.memref_squeeze %dma_start3A_90 : memref<1x128xi32, #tpu.memory_space<vmem>> -> memref<128xi32, #tpu.memory_space<vmem>>
      %dma_start3A_92 = arith.constant 0 : i32
      %dma_start3A_93 = arith.constant 0 : i32
      %dma_start3A_94 = tpu.memref_slice %arg11[%dma_start3A_92, %dma_start3A_93] : memref<10112x128xf32, #tpu.memory_space<vmem_shared>> -> memref<10112x128xf32, #tpu.memory_space<vmem_shared>>
      tpu.enqueue_indirect_dma source(%arg9 : memref<128x128xf32, #tpu.memory_space<vmem>>) target(%dma_start3A_94 : memref<10112x128xf32, #tpu.memory_space<vmem_shared>>) offsets(%dma_start3A_91 : memref<128xi32, #tpu.memory_space<vmem>>) semaphore(%arg14 : memref<!tpu.dma_semaphore, #tpu.memory_space<semaphore_mem>>) {add = true}
      %dma_wait3A_95 = arith.constant 2 : i32
      %dma_wait3A_96 = arith.constant 0 : i32
      %dma_wait3A_97 = tpu.memref_slice %arg8[%dma_wait3A_95, %dma_wait3A_96] : memref<8x128xi32, #tpu.memory_space<vmem>> -> memref<1x128xi32, #tpu.memory_space<vmem>>
      %dma_wait3A_98 = tpu.memref_squeeze %dma_wait3A_97 : memref<1x128xi32, #tpu.memory_space<vmem>> -> memref<128xi32, #tpu.memory_space<vmem>>
      %dma_wait3A_99 = arith.constant 0 : i32
      %dma_wait3A_100 = arith.constant 0 : i32
      %dma_wait3A_101 = tpu.memref_slice %arg11[%dma_wait3A_99, %dma_wait3A_100] : memref<10112x128xf32, #tpu.memory_space<vmem_shared>> -> memref<10112x128xf32, #tpu.memory_space<vmem_shared>>
      tpu.wait_indirect_dma semaphore(%arg14 : memref<!tpu.dma_semaphore, #tpu.memory_space<semaphore_mem>>) src(%arg9 : memref<128x128xf32, #tpu.memory_space<vmem>>) dst(%dma_wait3A_101 : memref<10112x128xf32, #tpu.memory_space<vmem_shared>>)
      %dma_wait3A_102 = arith.constant 3 : i32
      %dma_wait3A_103 = arith.constant 0 : i32
      %dma_wait3A_104 = tpu.memref_slice %arg7[%dma_wait3A_102, %dma_wait3A_103] : memref<8x128xi32, #tpu.memory_space<vmem>> -> memref<1x128xi32, #tpu.memory_space<vmem>>
      %dma_wait3A_105 = tpu.memref_squeeze %dma_wait3A_104 : memref<1x128xi32, #tpu.memory_space<vmem>> -> memref<128xi32, #tpu.memory_space<vmem>>
      %dma_wait3A_106 = arith.constant 0 : i32
      %dma_wait3A_107 = arith.constant 0 : i32
      %dma_wait3A_108 = tpu.memref_slice %arg2[%dma_wait3A_106, %dma_wait3A_107] : memref<10000x128xf32, #tpu.memory_space<hbm>> -> memref<10000x128xf32, #tpu.memory_space<hbm>>
      tpu.wait_indirect_dma semaphore(%arg13 : memref<!tpu.dma_semaphore, #tpu.memory_space<semaphore_mem>>) src(%dma_wait3A_108 : memref<10000x128xf32, #tpu.memory_space<hbm>>) dst(%arg10 : memref<128x128xf32, #tpu.memory_space<vmem>>)
      %dma_start3A_109 = arith.constant 4 : i32
      %dma_start3A_110 = arith.constant 0 : i32
      %dma_start3A_111 = tpu.memref_slice %arg7[%dma_start3A_109, %dma_start3A_110] : memref<8x128xi32, #tpu.memory_space<vmem>> -> memref<1x128xi32, #tpu.memory_space<vmem>>
      %dma_start3A_112 = tpu.memref_squeeze %dma_start3A_111 : memref<1x128xi32, #tpu.memory_space<vmem>> -> memref<128xi32, #tpu.memory_space<vmem>>
      %dma_start3A_113 = arith.constant 0 : i32
      %dma_start3A_114 = arith.constant 0 : i32
      %dma_start3A_115 = tpu.memref_slice %arg2[%dma_start3A_113, %dma_start3A_114] : memref<10000x128xf32, #tpu.memory_space<hbm>> -> memref<10000x128xf32, #tpu.memory_space<hbm>>
      tpu.enqueue_indirect_dma source(%dma_start3A_115 : memref<10000x128xf32, #tpu.memory_space<hbm>>) target(%arg9 : memref<128x128xf32, #tpu.memory_space<vmem>>) offsets(%dma_start3A_112 : memref<128xi32, #tpu.memory_space<vmem>>) semaphore(%arg12 : memref<!tpu.dma_semaphore, #tpu.memory_space<semaphore_mem>>)
      %dma_start3A_116 = arith.constant 3 : i32
      %dma_start3A_117 = arith.constant 0 : i32
      %dma_start3A_118 = tpu.memref_slice %arg8[%dma_start3A_116, %dma_start3A_117] : memref<8x128xi32, #tpu.memory_space<vmem>> -> memref<1x128xi32, #tpu.memory_space<vmem>>
      %dma_start3A_119 = tpu.memref_squeeze %dma_start3A_118 : memref<1x128xi32, #tpu.memory_space<vmem>> -> memref<128xi32, #tpu.memory_space<vmem>>
      %dma_start3A_120 = arith.constant 0 : i32
      %dma_start3A_121 = arith.constant 0 : i32
      %dma_start3A_122 = tpu.memref_slice %arg11[%dma_start3A_120, %dma_start3A_121] : memref<10112x128xf32, #tpu.memory_space<vmem_shared>> -> memref<10112x128xf32, #tpu.memory_space<vmem_shared>>
      tpu.enqueue_indirect_dma source(%arg10 : memref<128x128xf32, #tpu.memory_space<vmem>>) target(%dma_start3A_122 : memref<10112x128xf32, #tpu.memory_space<vmem_shared>>) offsets(%dma_start3A_119 : memref<128xi32, #tpu.memory_space<vmem>>) semaphore(%arg15 : memref<!tpu.dma_semaphore, #tpu.memory_space<semaphore_mem>>) {add = true}
      %dma_wait3A_123 = arith.constant 3 : i32
      %dma_wait3A_124 = arith.constant 0 : i32
      %dma_wait3A_125 = tpu.memref_slice %arg8[%dma_wait3A_123, %dma_wait3A_124] : memref<8x128xi32, #tpu.memory_space<vmem>> -> memref<1x128xi32, #tpu.memory_space<vmem>>
      %dma_wait3A_126 = tpu.memref_squeeze %dma_wait3A_125 : memref<1x128xi32, #tpu.memory_space<vmem>> -> memref<128xi32, #tpu.memory_space<vmem>>
      %dma_wait3A_127 = arith.constant 0 : i32
      %dma_wait3A_128 = arith.constant 0 : i32
      %dma_wait3A_129 = tpu.memref_slice %arg11[%dma_wait3A_127, %dma_wait3A_128] : memref<10112x128xf32, #tpu.memory_space<vmem_shared>> -> memref<10112x128xf32, #tpu.memory_space<vmem_shared>>
      tpu.wait_indirect_dma semaphore(%arg15 : memref<!tpu.dma_semaphore, #tpu.memory_space<semaphore_mem>>) src(%arg10 : memref<128x128xf32, #tpu.memory_space<vmem>>) dst(%dma_wait3A_129 : memref<10112x128xf32, #tpu.memory_space<vmem_shared>>)
      %dma_wait3A_130 = arith.constant 4 : i32
      %dma_wait3A_131 = arith.constant 0 : i32
      %dma_wait3A_132 = tpu.memref_slice %arg7[%dma_wait3A_130, %dma_wait3A_131] : memref<8x128xi32, #tpu.memory_space<vmem>> -> memref<1x128xi32, #tpu.memory_space<vmem>>
      %dma_wait3A_133 = tpu.memref_squeeze %dma_wait3A_132 : memref<1x128xi32, #tpu.memory_space<vmem>> -> memref<128xi32, #tpu.memory_space<vmem>>
      %dma_wait3A_134 = arith.constant 0 : i32
      %dma_wait3A_135 = arith.constant 0 : i32
      %dma_wait3A_136 = tpu.memref_slice %arg2[%dma_wait3A_134, %dma_wait3A_135] : memref<10000x128xf32, #tpu.memory_space<hbm>> -> memref<10000x128xf32, #tpu.memory_space<hbm>>
      tpu.wait_indirect_dma semaphore(%arg12 : memref<!tpu.dma_semaphore, #tpu.memory_space<semaphore_mem>>) src(%dma_wait3A_136 : memref<10000x128xf32, #tpu.memory_space<hbm>>) dst(%arg9 : memref<128x128xf32, #tpu.memory_space<vmem>>)
      %dma_start3A_137 = arith.constant 5 : i32
      %dma_start3A_138 = arith.constant 0 : i32
      %dma_start3A_139 = tpu.memref_slice %arg7[%dma_start3A_137, %dma_start3A_138] : memref<8x128xi32, #tpu.memory_space<vmem>> -> memref<1x128xi32, #tpu.memory_space<vmem>>
      %dma_start3A_140 = tpu.memref_squeeze %dma_start3A_139 : memref<1x128xi32, #tpu.memory_space<vmem>> -> memref<128xi32, #tpu.memory_space<vmem>>
      %dma_start3A_141 = arith.constant 0 : i32
      %dma_start3A_142 = arith.constant 0 : i32
      %dma_start3A_143 = tpu.memref_slice %arg2[%dma_start3A_141, %dma_start3A_142] : memref<10000x128xf32, #tpu.memory_space<hbm>> -> memref<10000x128xf32, #tpu.memory_space<hbm>>
      tpu.enqueue_indirect_dma source(%dma_start3A_143 : memref<10000x128xf32, #tpu.memory_space<hbm>>) target(%arg10 : memref<128x128xf32, #tpu.memory_space<vmem>>) offsets(%dma_start3A_140 : memref<128xi32, #tpu.memory_space<vmem>>) semaphore(%arg13 : memref<!tpu.dma_semaphore, #tpu.memory_space<semaphore_mem>>)
      %dma_start3A_144 = arith.constant 4 : i32
      %dma_start3A_145 = arith.constant 0 : i32
      %dma_start3A_146 = tpu.memref_slice %arg8[%dma_start3A_144, %dma_start3A_145] : memref<8x128xi32, #tpu.memory_space<vmem>> -> memref<1x128xi32, #tpu.memory_space<vmem>>
      %dma_start3A_147 = tpu.memref_squeeze %dma_start3A_146 : memref<1x128xi32, #tpu.memory_space<vmem>> -> memref<128xi32, #tpu.memory_space<vmem>>
      %dma_start3A_148 = arith.constant 0 : i32
      %dma_start3A_149 = arith.constant 0 : i32
      %dma_start3A_150 = tpu.memref_slice %arg11[%dma_start3A_148, %dma_start3A_149] : memref<10112x128xf32, #tpu.memory_space<vmem_shared>> -> memref<10112x128xf32, #tpu.memory_space<vmem_shared>>
      tpu.enqueue_indirect_dma source(%arg9 : memref<128x128xf32, #tpu.memory_space<vmem>>) target(%dma_start3A_150 : memref<10112x128xf32, #tpu.memory_space<vmem_shared>>) offsets(%dma_start3A_147 : memref<128xi32, #tpu.memory_space<vmem>>) semaphore(%arg14 : memref<!tpu.dma_semaphore, #tpu.memory_space<semaphore_mem>>) {add = true}
      %dma_wait3A_151 = arith.constant 4 : i32
      %dma_wait3A_152 = arith.constant 0 : i32
      %dma_wait3A_153 = tpu.memref_slice %arg8[%dma_wait3A_151, %dma_wait3A_152] : memref<8x128xi32, #tpu.memory_space<vmem>> -> memref<1x128xi32, #tpu.memory_space<vmem>>
      %dma_wait3A_154 = tpu.memref_squeeze %dma_wait3A_153 : memref<1x128xi32, #tpu.memory_space<vmem>> -> memref<128xi32, #tpu.memory_space<vmem>>
      %dma_wait3A_155 = arith.constant 0 : i32
      %dma_wait3A_156 = arith.constant 0 : i32
      %dma_wait3A_157 = tpu.memref_slice %arg11[%dma_wait3A_155, %dma_wait3A_156] : memref<10112x128xf32, #tpu.memory_space<vmem_shared>> -> memref<10112x128xf32, #tpu.memory_space<vmem_shared>>
      tpu.wait_indirect_dma semaphore(%arg14 : memref<!tpu.dma_semaphore, #tpu.memory_space<semaphore_mem>>) src(%arg9 : memref<128x128xf32, #tpu.memory_space<vmem>>) dst(%dma_wait3A_157 : memref<10112x128xf32, #tpu.memory_space<vmem_shared>>)
      %dma_wait3A_158 = arith.constant 5 : i32
      %dma_wait3A_159 = arith.constant 0 : i32
      %dma_wait3A_160 = tpu.memref_slice %arg7[%dma_wait3A_158, %dma_wait3A_159] : memref<8x128xi32, #tpu.memory_space<vmem>> -> memref<1x128xi32, #tpu.memory_space<vmem>>
      %dma_wait3A_161 = tpu.memref_squeeze %dma_wait3A_160 : memref<1x128xi32, #tpu.memory_space<vmem>> -> memref<128xi32, #tpu.memory_space<vmem>>
      %dma_wait3A_162 = arith.constant 0 : i32
      %dma_wait3A_163 = arith.constant 0 : i32
      %dma_wait3A_164 = tpu.memref_slice %arg2[%dma_wait3A_162, %dma_wait3A_163] : memref<10000x128xf32, #tpu.memory_space<hbm>> -> memref<10000x128xf32, #tpu.memory_space<hbm>>
      tpu.wait_indirect_dma semaphore(%arg13 : memref<!tpu.dma_semaphore, #tpu.memory_space<semaphore_mem>>) src(%dma_wait3A_164 : memref<10000x128xf32, #tpu.memory_space<hbm>>) dst(%arg10 : memref<128x128xf32, #tpu.memory_space<vmem>>)
      %dma_start3A_165 = arith.constant 6 : i32
      %dma_start3A_166 = arith.constant 0 : i32
      %dma_start3A_167 = tpu.memref_slice %arg7[%dma_start3A_165, %dma_start3A_166] : memref<8x128xi32, #tpu.memory_space<vmem>> -> memref<1x128xi32, #tpu.memory_space<vmem>>
      %dma_start3A_168 = tpu.memref_squeeze %dma_start3A_167 : memref<1x128xi32, #tpu.memory_space<vmem>> -> memref<128xi32, #tpu.memory_space<vmem>>
      %dma_start3A_169 = arith.constant 0 : i32
      %dma_start3A_170 = arith.constant 0 : i32
      %dma_start3A_171 = tpu.memref_slice %arg2[%dma_start3A_169, %dma_start3A_170] : memref<10000x128xf32, #tpu.memory_space<hbm>> -> memref<10000x128xf32, #tpu.memory_space<hbm>>
      tpu.enqueue_indirect_dma source(%dma_start3A_171 : memref<10000x128xf32, #tpu.memory_space<hbm>>) target(%arg9 : memref<128x128xf32, #tpu.memory_space<vmem>>) offsets(%dma_start3A_168 : memref<128xi32, #tpu.memory_space<vmem>>) semaphore(%arg12 : memref<!tpu.dma_semaphore, #tpu.memory_space<semaphore_mem>>)
      %dma_start3A_172 = arith.constant 5 : i32
      %dma_start3A_173 = arith.constant 0 : i32
      %dma_start3A_174 = tpu.memref_slice %arg8[%dma_start3A_172, %dma_start3A_173] : memref<8x128xi32, #tpu.memory_space<vmem>> -> memref<1x128xi32, #tpu.memory_space<vmem>>
      %dma_start3A_175 = tpu.memref_squeeze %dma_start3A_174 : memref<1x128xi32, #tpu.memory_space<vmem>> -> memref<128xi32, #tpu.memory_space<vmem>>
      %dma_start3A_176 = arith.constant 0 : i32
      %dma_start3A_177 = arith.constant 0 : i32
      %dma_start3A_178 = tpu.memref_slice %arg11[%dma_start3A_176, %dma_start3A_177] : memref<10112x128xf32, #tpu.memory_space<vmem_shared>> -> memref<10112x128xf32, #tpu.memory_space<vmem_shared>>
      tpu.enqueue_indirect_dma source(%arg10 : memref<128x128xf32, #tpu.memory_space<vmem>>) target(%dma_start3A_178 : memref<10112x128xf32, #tpu.memory_space<vmem_shared>>) offsets(%dma_start3A_175 : memref<128xi32, #tpu.memory_space<vmem>>) semaphore(%arg15 : memref<!tpu.dma_semaphore, #tpu.memory_space<semaphore_mem>>) {add = true}
      %dma_wait3A_179 = arith.constant 5 : i32
      %dma_wait3A_180 = arith.constant 0 : i32
      %dma_wait3A_181 = tpu.memref_slice %arg8[%dma_wait3A_179, %dma_wait3A_180] : memref<8x128xi32, #tpu.memory_space<vmem>> -> memref<1x128xi32, #tpu.memory_space<vmem>>
      %dma_wait3A_182 = tpu.memref_squeeze %dma_wait3A_181 : memref<1x128xi32, #tpu.memory_space<vmem>> -> memref<128xi32, #tpu.memory_space<vmem>>
      %dma_wait3A_183 = arith.constant 0 : i32
      %dma_wait3A_184 = arith.constant 0 : i32
      %dma_wait3A_185 = tpu.memref_slice %arg11[%dma_wait3A_183, %dma_wait3A_184] : memref<10112x128xf32, #tpu.memory_space<vmem_shared>> -> memref<10112x128xf32, #tpu.memory_space<vmem_shared>>
      tpu.wait_indirect_dma semaphore(%arg15 : memref<!tpu.dma_semaphore, #tpu.memory_space<semaphore_mem>>) src(%arg10 : memref<128x128xf32, #tpu.memory_space<vmem>>) dst(%dma_wait3A_185 : memref<10112x128xf32, #tpu.memory_space<vmem_shared>>)
      %dma_wait3A_186 = arith.constant 6 : i32
      %dma_wait3A_187 = arith.constant 0 : i32
      %dma_wait3A_188 = tpu.memref_slice %arg7[%dma_wait3A_186, %dma_wait3A_187] : memref<8x128xi32, #tpu.memory_space<vmem>> -> memref<1x128xi32, #tpu.memory_space<vmem>>
      %dma_wait3A_189 = tpu.memref_squeeze %dma_wait3A_188 : memref<1x128xi32, #tpu.memory_space<vmem>> -> memref<128xi32, #tpu.memory_space<vmem>>
      %dma_wait3A_190 = arith.constant 0 : i32
      %dma_wait3A_191 = arith.constant 0 : i32
      %dma_wait3A_192 = tpu.memref_slice %arg2[%dma_wait3A_190, %dma_wait3A_191] : memref<10000x128xf32, #tpu.memory_space<hbm>> -> memref<10000x128xf32, #tpu.memory_space<hbm>>
      tpu.wait_indirect_dma semaphore(%arg12 : memref<!tpu.dma_semaphore, #tpu.memory_space<semaphore_mem>>) src(%dma_wait3A_192 : memref<10000x128xf32, #tpu.memory_space<hbm>>) dst(%arg9 : memref<128x128xf32, #tpu.memory_space<vmem>>)
      %dma_start3A_193 = arith.constant 7 : i32
      %dma_start3A_194 = arith.constant 0 : i32
      %dma_start3A_195 = tpu.memref_slice %arg7[%dma_start3A_193, %dma_start3A_194] : memref<8x128xi32, #tpu.memory_space<vmem>> -> memref<1x128xi32, #tpu.memory_space<vmem>>
      %dma_start3A_196 = tpu.memref_squeeze %dma_start3A_195 : memref<1x128xi32, #tpu.memory_space<vmem>> -> memref<128xi32, #tpu.memory_space<vmem>>
      %dma_start3A_197 = arith.constant 0 : i32
      %dma_start3A_198 = arith.constant 0 : i32
      %dma_start3A_199 = tpu.memref_slice %arg2[%dma_start3A_197, %dma_start3A_198] : memref<10000x128xf32, #tpu.memory_space<hbm>> -> memref<10000x128xf32, #tpu.memory_space<hbm>>
      tpu.enqueue_indirect_dma source(%dma_start3A_199 : memref<10000x128xf32, #tpu.memory_space<hbm>>) target(%arg10 : memref<128x128xf32, #tpu.memory_space<vmem>>) offsets(%dma_start3A_196 : memref<128xi32, #tpu.memory_space<vmem>>) semaphore(%arg13 : memref<!tpu.dma_semaphore, #tpu.memory_space<semaphore_mem>>)
      %dma_start3A_200 = arith.constant 6 : i32
      %dma_start3A_201 = arith.constant 0 : i32
      %dma_start3A_202 = tpu.memref_slice %arg8[%dma_start3A_200, %dma_start3A_201] : memref<8x128xi32, #tpu.memory_space<vmem>> -> memref<1x128xi32, #tpu.memory_space<vmem>>
      %dma_start3A_203 = tpu.memref_squeeze %dma_start3A_202 : memref<1x128xi32, #tpu.memory_space<vmem>> -> memref<128xi32, #tpu.memory_space<vmem>>
      %dma_start3A_204 = arith.constant 0 : i32
      %dma_start3A_205 = arith.constant 0 : i32
      %dma_start3A_206 = tpu.memref_slice %arg11[%dma_start3A_204, %dma_start3A_205] : memref<10112x128xf32, #tpu.memory_space<vmem_shared>> -> memref<10112x128xf32, #tpu.memory_space<vmem_shared>>
      tpu.enqueue_indirect_dma source(%arg9 : memref<128x128xf32, #tpu.memory_space<vmem>>) target(%dma_start3A_206 : memref<10112x128xf32, #tpu.memory_space<vmem_shared>>) offsets(%dma_start3A_203 : memref<128xi32, #tpu.memory_space<vmem>>) semaphore(%arg14 : memref<!tpu.dma_semaphore, #tpu.memory_space<semaphore_mem>>) {add = true}
      %dma_wait3A_207 = arith.constant 6 : i32
      %dma_wait3A_208 = arith.constant 0 : i32
      %dma_wait3A_209 = tpu.memref_slice %arg8[%dma_wait3A_207, %dma_wait3A_208] : memref<8x128xi32, #tpu.memory_space<vmem>> -> memref<1x128xi32, #tpu.memory_space<vmem>>
      %dma_wait3A_210 = tpu.memref_squeeze %dma_wait3A_209 : memref<1x128xi32, #tpu.memory_space<vmem>> -> memref<128xi32, #tpu.memory_space<vmem>>
      %dma_wait3A_211 = arith.constant 0 : i32
      %dma_wait3A_212 = arith.constant 0 : i32
      %dma_wait3A_213 = tpu.memref_slice %arg11[%dma_wait3A_211, %dma_wait3A_212] : memref<10112x128xf32, #tpu.memory_space<vmem_shared>> -> memref<10112x128xf32, #tpu.memory_space<vmem_shared>>
      tpu.wait_indirect_dma semaphore(%arg14 : memref<!tpu.dma_semaphore, #tpu.memory_space<semaphore_mem>>) src(%arg9 : memref<128x128xf32, #tpu.memory_space<vmem>>) dst(%dma_wait3A_213 : memref<10112x128xf32, #tpu.memory_space<vmem_shared>>)
      %dma_wait3A_214 = arith.constant 7 : i32
      %dma_wait3A_215 = arith.constant 0 : i32
      %dma_wait3A_216 = tpu.memref_slice %arg7[%dma_wait3A_214, %dma_wait3A_215] : memref<8x128xi32, #tpu.memory_space<vmem>> -> memref<1x128xi32, #tpu.memory_space<vmem>>
      %dma_wait3A_217 = tpu.memref_squeeze %dma_wait3A_216 : memref<1x128xi32, #tpu.memory_space<vmem>> -> memref<128xi32, #tpu.memory_space<vmem>>
      %dma_wait3A_218 = arith.constant 0 : i32
      %dma_wait3A_219 = arith.constant 0 : i32
      %dma_wait3A_220 = tpu.memref_slice %arg2[%dma_wait3A_218, %dma_wait3A_219] : memref<10000x128xf32, #tpu.memory_space<hbm>> -> memref<10000x128xf32, #tpu.memory_space<hbm>>
      tpu.wait_indirect_dma semaphore(%arg13 : memref<!tpu.dma_semaphore, #tpu.memory_space<semaphore_mem>>) src(%dma_wait3A_220 : memref<10000x128xf32, #tpu.memory_space<hbm>>) dst(%arg10 : memref<128x128xf32, #tpu.memory_space<vmem>>)
      %dma_start3A_221 = arith.constant 7 : i32
      %dma_start3A_222 = arith.constant 0 : i32
      %dma_start3A_223 = tpu.memref_slice %arg8[%dma_start3A_221, %dma_start3A_222] : memref<8x128xi32, #tpu.memory_space<vmem>> -> memref<1x128xi32, #tpu.memory_space<vmem>>
      %dma_start3A_224 = tpu.memref_squeeze %dma_start3A_223 : memref<1x128xi32, #tpu.memory_space<vmem>> -> memref<128xi32, #tpu.memory_space<vmem>>
      %dma_start3A_225 = arith.constant 0 : i32
      %dma_start3A_226 = arith.constant 0 : i32
      %dma_start3A_227 = tpu.memref_slice %arg11[%dma_start3A_225, %dma_start3A_226] : memref<10112x128xf32, #tpu.memory_space<vmem_shared>> -> memref<10112x128xf32, #tpu.memory_space<vmem_shared>>
      tpu.enqueue_indirect_dma source(%arg10 : memref<128x128xf32, #tpu.memory_space<vmem>>) target(%dma_start3A_227 : memref<10112x128xf32, #tpu.memory_space<vmem_shared>>) offsets(%dma_start3A_224 : memref<128xi32, #tpu.memory_space<vmem>>) semaphore(%arg15 : memref<!tpu.dma_semaphore, #tpu.memory_space<semaphore_mem>>) {add = true}
      %dma_wait3A_228 = arith.constant 7 : i32
      %dma_wait3A_229 = arith.constant 0 : i32
      %dma_wait3A_230 = tpu.memref_slice %arg8[%dma_wait3A_228, %dma_wait3A_229] : memref<8x128xi32, #tpu.memory_space<vmem>> -> memref<1x128xi32, #tpu.memory_space<vmem>>
      %dma_wait3A_231 = tpu.memref_squeeze %dma_wait3A_230 : memref<1x128xi32, #tpu.memory_space<vmem>> -> memref<128xi32, #tpu.memory_space<vmem>>
      %dma_wait3A_232 = arith.constant 0 : i32
      %dma_wait3A_233 = arith.constant 0 : i32
      %dma_wait3A_234 = tpu.memref_slice %arg11[%dma_wait3A_232, %dma_wait3A_233] : memref<10112x128xf32, #tpu.memory_space<vmem_shared>> -> memref<10112x128xf32, #tpu.memory_space<vmem_shared>>
      tpu.wait_indirect_dma semaphore(%arg15 : memref<!tpu.dma_semaphore, #tpu.memory_space<semaphore_mem>>) src(%arg10 : memref<128x128xf32, #tpu.memory_space<vmem>>) dst(%dma_wait3A_234 : memref<10112x128xf32, #tpu.memory_space<vmem_shared>>)
    }
    %scan3A_7 = arith.constant 10 : i32
    %barrier3A_8 = arith.constant 0 : index
    tpu.barrier barrier_id(%barrier3A_8)
    "tpu.region"() ({
      %run_scoped3A = tpu.sem_alloc : memref<!tpu.dma_semaphore, #tpu.memory_space<semaphore_mem>>
      %dma_start3A = arith.constant 0 : i32
      %dma_start3A_9 = tpu.memref_slice %arg6[%arg0, %mul3A_2, %dma_start3A] : memref<2x10112x128xf32, #tpu.memory_space<hbm>> -> memref<1x632x128xf32, #tpu.memory_space<hbm>>
      %dma_start3A_10 = tpu.memref_squeeze %dma_start3A_9 : memref<1x632x128xf32, #tpu.memory_space<hbm>> -> memref<632x128xf32, #tpu.memory_space<hbm>>
      %dma_start3A_11 = arith.constant 0 : i32
      %dma_start3A_12 = tpu.memref_slice %arg11[%mul3A_2, %dma_start3A_11] : memref<10112x128xf32, #tpu.memory_space<vmem_shared>> -> memref<632x128xf32, #tpu.memory_space<vmem_shared>>
      tpu.enqueue_dma source(%dma_start3A_12 : memref<632x128xf32, #tpu.memory_space<vmem_shared>>) target(%dma_start3A_10 : memref<632x128xf32, #tpu.memory_space<hbm>>) target_semaphore(%run_scoped3A : memref<!tpu.dma_semaphore, #tpu.memory_space<semaphore_mem>>)
      %dma_wait3A = arith.constant 0 : i32
      %dma_wait3A_13 = tpu.memref_slice %arg6[%arg0, %mul3A_2, %dma_wait3A] : memref<2x10112x128xf32, #tpu.memory_space<hbm>> -> memref<1x632x128xf32, #tpu.memory_space<hbm>>
      %dma_wait3A_14 = tpu.memref_squeeze %dma_wait3A_13 : memref<1x632x128xf32, #tpu.memory_space<hbm>> -> memref<632x128xf32, #tpu.memory_space<hbm>>
      %dma_wait3A_15 = arith.constant 0 : i32
      %dma_wait3A_16 = tpu.memref_slice %arg11[%mul3A_2, %dma_wait3A_15] : memref<10112x128xf32, #tpu.memory_space<vmem_shared>> -> memref<632x128xf32, #tpu.memory_space<vmem_shared>>
      tpu.wait_dma2 semaphore(%run_scoped3A : memref<!tpu.dma_semaphore, #tpu.memory_space<semaphore_mem>>) src(%dma_wait3A_16 : memref<632x128xf32, #tpu.memory_space<vmem_shared>>) dst(%dma_wait3A_14 : memref<632x128xf32, #tpu.memory_space<hbm>>)
      tpu.yield
    }) : () -> ()
    return
  }
}

module attributes {stable_mosaic.version = 14 : i64} {
  func.func @_layer2_body(%arg0: i32, %arg1: memref<2000x128xf32, #tpu.memory_space<vmem>>, %arg2: memref<2x2000x128xf32, #tpu.memory_space<vmem>>, %arg3: memref<2000x32xf32, #tpu.memory_space<vmem>>, %arg4: memref<128x128xf32, #tpu.memory_space<vmem>>, %arg5: memref<128x128xf32, #tpu.memory_space<vmem>>, %arg6: memref<1x128xf32, #tpu.memory_space<vmem>>, %arg7: memref<1x16xf32, #tpu.memory_space<vmem>>, %arg8: memref<128x64xf32, #tpu.memory_space<vmem>>, %arg9: memref<16x64xf32, #tpu.memory_space<vmem>>, %arg10: memref<1x64xf32, #tpu.memory_space<vmem>>, %arg11: memref<64x1xf32, #tpu.memory_space<vmem>>, %arg12: memref<1x1xf32, #tpu.memory_space<vmem>>, %arg13: memref<1x1xf32, #tpu.memory_space<vmem>>, %arg14: memref<1x128xf32, #tpu.memory_space<vmem>>) attributes {dimension_semantics = [#tpu.dimension_semantics<arbitrary>], iteration_bounds = array<i64: 5>, scalar_prefetch = 0 : i64, scratch_operands = 1 : i64, tpu.core_type = #tpu.core_type<tc>, window_params = [{transform_indices = @transform_0, window_bounds = array<i64: 2000, 128>}, {transform_indices = @transform_1, window_bounds = array<i64: 2, 2000, 128>}, {transform_indices = @transform_2, window_bounds = array<i64: 2000, 32>}, {pipeline_mode = #tpu.pipeline_mode<synchronous>, transform_indices = @transform_3, window_bounds = array<i64: 128, 128>}, {pipeline_mode = #tpu.pipeline_mode<synchronous>, transform_indices = @transform_4, window_bounds = array<i64: 128, 128>}, {pipeline_mode = #tpu.pipeline_mode<synchronous>, transform_indices = @transform_5, window_bounds = array<i64: 1, 128>}, {pipeline_mode = #tpu.pipeline_mode<synchronous>, transform_indices = @transform_6, window_bounds = array<i64: 1, 16>}, {pipeline_mode = #tpu.pipeline_mode<synchronous>, transform_indices = @transform_7, window_bounds = array<i64: 128, 64>}, {pipeline_mode = #tpu.pipeline_mode<synchronous>, transform_indices = @transform_8, window_bounds = array<i64: 16, 64>}, {pipeline_mode = #tpu.pipeline_mode<synchronous>, transform_indices = @transform_9, window_bounds = array<i64: 1, 64>}, {pipeline_mode = #tpu.pipeline_mode<synchronous>, transform_indices = @transform_10, window_bounds = array<i64: 64, 1>}, {pipeline_mode = #tpu.pipeline_mode<synchronous>, transform_indices = @transform_11, window_bounds = array<i64: 1, 1>}, {pipeline_mode = #tpu.pipeline_mode<synchronous>, transform_indices = @transform_12, window_bounds = array<i64: 1, 1>}]} {
    %eq3A = arith.constant 0 : i32
    %eq3A_0 = arith.cmpi eq, %arg0, %eq3A : i32
    %convert_element_type3A = arith.extui %eq3A_0 : i1 to i32
    %cond3A = arith.constant 0 : i32
    %cond3A_1 = arith.cmpi ne, %convert_element_type3A, %cond3A : i32
    scf.if %cond3A_1 {
      %broadcast_in_dim3A_54 = arith.constant 0.000000e+00 : f32
      %broadcast_in_dim3A_55 = vector.broadcast %broadcast_in_dim3A_54 : f32 to vector<1x128xf32>
      %swap3A_56 = arith.constant 0 : index
      %swap3A_57 = arith.constant 0 : index
      %swap3A_58 = vector.load %arg14[%swap3A_56, %swap3A_57] : memref<1x128xf32, #tpu.memory_space<vmem>>, vector<1x128xf32>
      tpu.vector_store %arg14[%swap3A_56, %swap3A_57], %broadcast_in_dim3A_55 {strides = array<i32>} : memref<1x128xf32, #tpu.memory_space<vmem>>, vector<1x128xf32>,
    } else {
    }
    %get3A = arith.constant 0 : index
    %get3A_2 = arith.constant 0 : index
    %get3A_3 = vector.load %arg3[%get3A, %get3A_2] : memref<2000x32xf32, #tpu.memory_space<vmem>>, vector<2000x32xf32>
    %reduce_sum3A = arith.constant dense<0.000000e+00> : vector<2000xf32>
    %reduce_sum3A_4 = vector.multi_reduction <add>, %get3A_3, %reduce_sum3A [1] : vector<2000x32xf32> to vector<2000xf32>
    %max3A = arith.constant 1.000000e+00 : f32
    %max3A_5 = vector.broadcast %max3A : f32 to vector<2000xf32>
    %max3A_6 = arith.maximumf %reduce_sum3A_4, %max3A_5 : vector<2000xf32>
    %broadcast_in_dim3A = vector.shape_cast %max3A_6 : vector<2000xf32> to vector<2000x1xf32>
    %get3A_7 = arith.constant 0 : index
    %get3A_8 = arith.constant 0 : index
    %get3A_9 = arith.constant 0 : index
    %get3A_10 = vector.load %arg2[%get3A_7, %get3A_8, %get3A_9] : memref<2x2000x128xf32, #tpu.memory_space<vmem>>, vector<1x2000x128xf32>
    %get3A_11 = vector.shape_cast %get3A_10 : vector<1x2000x128xf32> to vector<2000x128xf32>
    %get3A_12 = arith.constant 1 : index
    %get3A_13 = arith.constant 0 : index
    %get3A_14 = arith.constant 0 : index
    %get3A_15 = vector.load %arg2[%get3A_12, %get3A_13, %get3A_14] : memref<2x2000x128xf32, #tpu.memory_space<vmem>>, vector<1x2000x128xf32>
    %get3A_16 = vector.shape_cast %get3A_15 : vector<1x2000x128xf32> to vector<2000x128xf32>
    %add3A = arith.addf %get3A_11, %get3A_16 : vector<2000x128xf32>
    %div3A = vector.broadcast %broadcast_in_dim3A : vector<2000x1xf32> to vector<2000x128xf32>
    %div3A_17 = arith.divf %add3A, %div3A : vector<2000x128xf32>
    %get3A_18 = arith.constant 0 : index
    %get3A_19 = arith.constant 0 : index
    %get3A_20 = vector.load %arg1[%get3A_18, %get3A_19] : memref<2000x128xf32, #tpu.memory_space<vmem>>, vector<2000x128xf32>
    %get3A_21 = arith.constant 0 : index
    %get3A_22 = arith.constant 0 : index
    %get3A_23 = vector.load %arg4[%get3A_21, %get3A_22] : memref<128x128xf32, #tpu.memory_space<vmem>>, vector<128x128xf32>
    %dot_general3A = arith.constant dense<0.000000e+00> : vector<2000x128xf32>
    %dot_general3A_24 = tpu.matmul %get3A_20, %get3A_23, %dot_general3A {dimension_numbers = #tpu.dot_dimension_numbers<[1], [0], [0], [1], [0, 0, 1, 1], [], []>, precision = #tpu.contract_precision<fp32>, transpose_lhs_hint = false} : vector<2000x128xf32>, vector<128x128xf32>, vector<2000x128xf32> -> vector<2000x128xf32>
    %get3A_25 = arith.constant 0 : index
    %get3A_26 = arith.constant 0 : index
    %get3A_27 = vector.load %arg5[%get3A_25, %get3A_26] : memref<128x128xf32, #tpu.memory_space<vmem>>, vector<128x128xf32>
    %dot_general3A_28 = arith.constant dense<0.000000e+00> : vector<2000x128xf32>
    %dot_general3A_29 = tpu.matmul %div3A_17, %get3A_27, %dot_general3A_28 {dimension_numbers = #tpu.dot_dimension_numbers<[1], [0], [0], [1], [0, 0, 1, 1], [], []>, precision = #tpu.contract_precision<fp32>, transpose_lhs_hint = false} : vector<2000x128xf32>, vector<128x128xf32>, vector<2000x128xf32> -> vector<2000x128xf32>
    %add3A_30 = arith.addf %dot_general3A_24, %dot_general3A_29 : vector<2000x128xf32>
    %get3A_31 = arith.constant 0 : index
    %get3A_32 = arith.constant 0 : index
    %get3A_33 = vector.load %arg6[%get3A_31, %get3A_32] : memref<1x128xf32, #tpu.memory_space<vmem>>, vector<1x128xf32>
    %add3A_34 = vector.broadcast %get3A_33 : vector<1x128xf32> to vector<2000x128xf32>
    %add3A_35 = arith.addf %add3A_30, %add3A_34 : vector<2000x128xf32>
    %ge3A = arith.constant 0.000000e+00 : f32
    %ge3A_36 = vector.broadcast %ge3A : f32 to vector<2000x128xf32>
    %ge3A_37 = arith.cmpf oge, %add3A_35, %ge3A_36 : vector<2000x128xf32>
    %mul3A = arith.constant 0.00999999977 : f32
    %mul3A_38 = vector.broadcast %mul3A : f32 to vector<2000x128xf32>
    %mul3A_39 = arith.mulf %mul3A_38, %add3A_35 : vector<2000x128xf32>
    %select_n3A = arith.select %ge3A_37, %add3A_35, %mul3A_39 : vector<2000x128xi1>, vector<2000x128xf32>
    %get3A_40 = arith.constant 0 : index
    %get3A_41 = arith.constant 0 : index
    %get3A_42 = vector.load %arg14[%get3A_40, %get3A_41] : memref<1x128xf32, #tpu.memory_space<vmem>>, vector<1x128xf32>
    %reduce_sum3A_43 = arith.constant dense<0.000000e+00> : vector<128xf32>
    %reduce_sum3A_44 = vector.multi_reduction <add>, %select_n3A, %reduce_sum3A_43 [0] : vector<2000x128xf32> to vector<128xf32>
    %broadcast_in_dim3A_45 = vector.shape_cast %reduce_sum3A_44 : vector<128xf32> to vector<1x128xf32>
    %add3A_46 = arith.addf %get3A_42, %broadcast_in_dim3A_45 : vector<1x128xf32>
    %swap3A = arith.constant 0 : index
    %swap3A_47 = arith.constant 0 : index
    %swap3A_48 = vector.load %arg14[%swap3A, %swap3A_47] : memref<1x128xf32, #tpu.memory_space<vmem>>, vector<1x128xf32>
    tpu.vector_store %arg14[%swap3A, %swap3A_47], %add3A_46 {strides = array<i32>} : memref<1x128xf32, #tpu.memory_space<vmem>>, vector<1x128xf32>,
    %eq3A_49 = arith.constant 4 : i32
    %eq3A_50 = arith.cmpi eq, %arg0, %eq3A_49 : i32
    %convert_element_type3A_51 = arith.extui %eq3A_50 : i1 to i32
    %cond3A_52 = arith.constant 0 : i32
    %cond3A_53 = arith.cmpi ne, %convert_element_type3A_51, %cond3A_52 : i32
    scf.if %cond3A_53 {
      %get3A_54 = arith.constant 0 : index
      %get3A_55 = arith.constant 0 : index
      %get3A_56 = vector.load %arg14[%get3A_54, %get3A_55] : memref<1x128xf32, #tpu.memory_space<vmem>>, vector<1x128xf32>
      %div3A_57 = arith.constant 1.000000e+04 : f32
      %div3A_58 = vector.broadcast %div3A_57 : f32 to vector<1x128xf32>
      %div3A_59 = arith.divf %get3A_56, %div3A_58 : vector<1x128xf32>
      %get3A_60 = arith.constant 0 : index
      %get3A_61 = arith.constant 0 : index
      %get3A_62 = vector.load %arg8[%get3A_60, %get3A_61] : memref<128x64xf32, #tpu.memory_space<vmem>>, vector<128x64xf32>
      %dot_general3A_63 = arith.constant dense<0.000000e+00> : vector<1x64xf32>
      %dot_general3A_64 = tpu.matmul %div3A_59, %get3A_62, %dot_general3A_63 {dimension_numbers = #tpu.dot_dimension_numbers<[1], [0], [0], [1], [0, 0, 1, 1], [], []>, precision = #tpu.contract_precision<fp32>, transpose_lhs_hint = false} : vector<1x128xf32>, vector<128x64xf32>, vector<1x64xf32> -> vector<1x64xf32>
      %get3A_65 = arith.constant 0 : index
      %get3A_66 = arith.constant 0 : index
      %get3A_67 = vector.load %arg7[%get3A_65, %get3A_66] : memref<1x16xf32, #tpu.memory_space<vmem>>, vector<1x16xf32>
      %get3A_68 = arith.constant 0 : index
      %get3A_69 = arith.constant 0 : index
      %get3A_70 = vector.load %arg9[%get3A_68, %get3A_69] : memref<16x64xf32, #tpu.memory_space<vmem>>, vector<16x64xf32>
      %dot_general3A_71 = arith.constant dense<0.000000e+00> : vector<1x64xf32>
      %dot_general3A_72 = tpu.matmul %get3A_67, %get3A_70, %dot_general3A_71 {dimension_numbers = #tpu.dot_dimension_numbers<[1], [0], [0], [1], [0, 0, 1, 1], [], []>, precision = #tpu.contract_precision<fp32>, transpose_lhs_hint = false} : vector<1x16xf32>, vector<16x64xf32>, vector<1x64xf32> -> vector<1x64xf32>
      %add3A_73 = arith.addf %dot_general3A_64, %dot_general3A_72 : vector<1x64xf32>
      %get3A_74 = arith.constant 0 : index
      %get3A_75 = arith.constant 0 : index
      %get3A_76 = vector.load %arg10[%get3A_74, %get3A_75] : memref<1x64xf32, #tpu.memory_space<vmem>>, vector<1x64xf32>
      %add3A_77 = arith.addf %add3A_73, %get3A_76 : vector<1x64xf32>
      %max3A_78 = arith.constant 0.000000e+00 : f32
      %max3A_79 = vector.broadcast %max3A_78 : f32 to vector<1x64xf32>
      %max3A_80 = arith.maximumf %add3A_77, %max3A_79 : vector<1x64xf32>
      %get3A_81 = arith.constant 0 : index
      %get3A_82 = arith.constant 0 : index
      %get3A_83 = vector.load %arg11[%get3A_81, %get3A_82] : memref<64x1xf32, #tpu.memory_space<vmem>>, vector<64x1xf32>
      %dot_general3A_84 = arith.constant dense<0.000000e+00> : vector<1x1xf32>
      %dot_general3A_85 = tpu.matmul %max3A_80, %get3A_83, %dot_general3A_84 {dimension_numbers = #tpu.dot_dimension_numbers<[1], [0], [0], [1], [0, 0, 1, 1], [], []>, precision = #tpu.contract_precision<fp32>, transpose_lhs_hint = false} : vector<1x64xf32>, vector<64x1xf32>, vector<1x1xf32> -> vector<1x1xf32>
      %get3A_86 = arith.constant 0 : index
      %get3A_87 = arith.constant 0 : index
      %get3A_88 = vector.load %arg12[%get3A_86, %get3A_87] : memref<1x1xf32, #tpu.memory_space<vmem>>, vector<1x1xf32>
      %add3A_89 = arith.addf %dot_general3A_85, %get3A_88 : vector<1x1xf32>
      %swap3A_90 = arith.constant 0 : index
      %swap3A_91 = arith.constant 0 : index
      %swap3A_92 = vector.load %arg13[%swap3A_90, %swap3A_91] : memref<1x1xf32, #tpu.memory_space<vmem>>, vector<1x1xf32>
      tpu.vector_store %arg13[%swap3A_90, %swap3A_91], %add3A_89 {strides = array<i32>} : memref<1x1xf32, #tpu.memory_space<vmem>>, vector<1x1xf32>,
    } else {
    }
    return
  }
  func.func @transform_0(%arg0: i32) -> (i32, i32) {
    %c0_i32 = arith.constant 0 : i32
    %c0_i32_0 = arith.constant 0 : i32
    return %arg0, %c0_i32 : i32, i32
  }
  func.func @transform_1(%arg0: i32) -> (i32, i32, i32) {
    %c0_i32 = arith.constant 0 : i32
    %c0_i32_0 = arith.constant 0 : i32
    %c0_i32_1 = arith.constant 0 : i32
    return %c0_i32, %arg0, %c0_i32_0 : i32, i32, i32
  }
  func.func @transform_2(%arg0: i32) -> (i32, i32) {
    %c0_i32 = arith.constant 0 : i32
    %c0_i32_0 = arith.constant 0 : i32
    return %arg0, %c0_i32 : i32, i32
  }
  func.func @transform_3(%arg0: i32) -> (i32, i32) {
    %c0_i32 = arith.constant 0 : i32
    %c0_i32_0 = arith.constant 0 : i32
    %c0_i32_1 = arith.constant 0 : i32
    return %c0_i32, %c0_i32_0 : i32, i32
  }
  func.func @transform_4(%arg0: i32) -> (i32, i32) {
    %c0_i32 = arith.constant 0 : i32
    %c0_i32_0 = arith.constant 0 : i32
    %c0_i32_1 = arith.constant 0 : i32
    return %c0_i32, %c0_i32_0 : i32, i32
  }
  func.func @transform_5(%arg0: i32) -> (i32, i32) {
    %c0_i32 = arith.constant 0 : i32
    %c0_i32_0 = arith.constant 0 : i32
    %c0_i32_1 = arith.constant 0 : i32
    return %c0_i32, %c0_i32_0 : i32, i32
  }
  func.func @transform_6(%arg0: i32) -> (i32, i32) {
    %c0_i32 = arith.constant 0 : i32
    %c0_i32_0 = arith.constant 0 : i32
    %c0_i32_1 = arith.constant 0 : i32
    return %c0_i32, %c0_i32_0 : i32, i32
  }
  func.func @transform_7(%arg0: i32) -> (i32, i32) {
    %c0_i32 = arith.constant 0 : i32
    %c0_i32_0 = arith.constant 0 : i32
    %c0_i32_1 = arith.constant 0 : i32
    return %c0_i32, %c0_i32_0 : i32, i32
  }
  func.func @transform_8(%arg0: i32) -> (i32, i32) {
    %c0_i32 = arith.constant 0 : i32
    %c0_i32_0 = arith.constant 0 : i32
    %c0_i32_1 = arith.constant 0 : i32
    return %c0_i32, %c0_i32_0 : i32, i32
  }
  func.func @transform_9(%arg0: i32) -> (i32, i32) {
    %c0_i32 = arith.constant 0 : i32
    %c0_i32_0 = arith.constant 0 : i32
    %c0_i32_1 = arith.constant 0 : i32
    return %c0_i32, %c0_i32_0 : i32, i32
  }
  func.func @transform_10(%arg0: i32) -> (i32, i32) {
    %c0_i32 = arith.constant 0 : i32
    %c0_i32_0 = arith.constant 0 : i32
    %c0_i32_1 = arith.constant 0 : i32
    return %c0_i32, %c0_i32_0 : i32, i32
  }
  func.func @transform_11(%arg0: i32) -> (i32, i32) {
    %c0_i32 = arith.constant 0 : i32
    %c0_i32_0 = arith.constant 0 : i32
    %c0_i32_1 = arith.constant 0 : i32
    return %c0_i32, %c0_i32_0 : i32, i32
  }
  func.func @transform_12(%arg0: i32) -> (i32, i32) {
    %c0_i32 = arith.constant 0 : i32
    %c0_i32_0 = arith.constant 0 : i32
    %c0_i32_1 = arith.constant 0 : i32
    return %c0_i32, %c0_i32_0 : i32, i32
  }
}

module attributes {stable_mosaic.version = 14 : i64} {
  func.func @_layer1_body(%arg0: i32, %arg1: memref<2000x128xf32, #tpu.memory_space<vmem>>, %arg2: memref<2x2000x128xf32, #tpu.memory_space<vmem>>, %arg3: memref<2000x32xf32, #tpu.memory_space<vmem>>, %arg4: memref<128x128xf32, #tpu.memory_space<vmem>>, %arg5: memref<128x128xf32, #tpu.memory_space<vmem>>, %arg6: memref<1x128xf32, #tpu.memory_space<vmem>>, %arg7: memref<2000x128xf32, #tpu.memory_space<vmem>>) attributes {dimension_semantics = [#tpu.dimension_semantics<arbitrary>], iteration_bounds = array<i64: 5>, scalar_prefetch = 0 : i64, scratch_operands = 0 : i64, tpu.core_type = #tpu.core_type<tc>, window_params = [{transform_indices = @transform_0, window_bounds = array<i64: 2000, 128>}, {transform_indices = @transform_1, window_bounds = array<i64: 2, 2000, 128>}, {transform_indices = @transform_2, window_bounds = array<i64: 2000, 32>}, {pipeline_mode = #tpu.pipeline_mode<synchronous>, transform_indices = @transform_3, window_bounds = array<i64: 128, 128>}, {pipeline_mode = #tpu.pipeline_mode<synchronous>, transform_indices = @transform_4, window_bounds = array<i64: 128, 128>}, {pipeline_mode = #tpu.pipeline_mode<synchronous>, transform_indices = @transform_5, window_bounds = array<i64: 1, 128>}, {transform_indices = @transform_6, window_bounds = array<i64: 2000, 128>}]} {
    %get3A = arith.constant 0 : index
    %get3A_0 = arith.constant 0 : index
    %get3A_1 = vector.load %arg3[%get3A, %get3A_0] : memref<2000x32xf32, #tpu.memory_space<vmem>>, vector<2000x32xf32>
    %reduce_sum3A = arith.constant dense<0.000000e+00> : vector<2000xf32>
    %reduce_sum3A_2 = vector.multi_reduction <add>, %get3A_1, %reduce_sum3A [1] : vector<2000x32xf32> to vector<2000xf32>
    %max3A = arith.constant 1.000000e+00 : f32
    %max3A_3 = vector.broadcast %max3A : f32 to vector<2000xf32>
    %max3A_4 = arith.maximumf %reduce_sum3A_2, %max3A_3 : vector<2000xf32>
    %broadcast_in_dim3A = vector.shape_cast %max3A_4 : vector<2000xf32> to vector<2000x1xf32>
    %get3A_5 = arith.constant 0 : index
    %get3A_6 = arith.constant 0 : index
    %get3A_7 = arith.constant 0 : index
    %get3A_8 = vector.load %arg2[%get3A_5, %get3A_6, %get3A_7] : memref<2x2000x128xf32, #tpu.memory_space<vmem>>, vector<1x2000x128xf32>
    %get3A_9 = vector.shape_cast %get3A_8 : vector<1x2000x128xf32> to vector<2000x128xf32>
    %get3A_10 = arith.constant 1 : index
    %get3A_11 = arith.constant 0 : index
    %get3A_12 = arith.constant 0 : index
    %get3A_13 = vector.load %arg2[%get3A_10, %get3A_11, %get3A_12] : memref<2x2000x128xf32, #tpu.memory_space<vmem>>, vector<1x2000x128xf32>
    %get3A_14 = vector.shape_cast %get3A_13 : vector<1x2000x128xf32> to vector<2000x128xf32>
    %add3A = arith.addf %get3A_9, %get3A_14 : vector<2000x128xf32>
    %div3A = vector.broadcast %broadcast_in_dim3A : vector<2000x1xf32> to vector<2000x128xf32>
    %div3A_15 = arith.divf %add3A, %div3A : vector<2000x128xf32>
    %get3A_16 = arith.constant 0 : index
    %get3A_17 = arith.constant 0 : index
    %get3A_18 = vector.load %arg1[%get3A_16, %get3A_17] : memref<2000x128xf32, #tpu.memory_space<vmem>>, vector<2000x128xf32>
    %get3A_19 = arith.constant 0 : index
    %get3A_20 = arith.constant 0 : index
    %get3A_21 = vector.load %arg4[%get3A_19, %get3A_20] : memref<128x128xf32, #tpu.memory_space<vmem>>, vector<128x128xf32>
    %dot_general3A = arith.constant dense<0.000000e+00> : vector<2000x128xf32>
    %dot_general3A_22 = tpu.matmul %get3A_18, %get3A_21, %dot_general3A {dimension_numbers = #tpu.dot_dimension_numbers<[1], [0], [0], [1], [0, 0, 1, 1], [], []>, precision = #tpu.contract_precision<fp32>, transpose_lhs_hint = false} : vector<2000x128xf32>, vector<128x128xf32>, vector<2000x128xf32> -> vector<2000x128xf32>
    %get3A_23 = arith.constant 0 : index
    %get3A_24 = arith.constant 0 : index
    %get3A_25 = vector.load %arg5[%get3A_23, %get3A_24] : memref<128x128xf32, #tpu.memory_space<vmem>>, vector<128x128xf32>
    %dot_general3A_26 = arith.constant dense<0.000000e+00> : vector<2000x128xf32>
    %dot_general3A_27 = tpu.matmul %div3A_15, %get3A_25, %dot_general3A_26 {dimension_numbers = #tpu.dot_dimension_numbers<[1], [0], [0], [1], [0, 0, 1, 1], [], []>, precision = #tpu.contract_precision<fp32>, transpose_lhs_hint = false} : vector<2000x128xf32>, vector<128x128xf32>, vector<2000x128xf32> -> vector<2000x128xf32>
    %add3A_28 = arith.addf %dot_general3A_22, %dot_general3A_27 : vector<2000x128xf32>
    %get3A_29 = arith.constant 0 : index
    %get3A_30 = arith.constant 0 : index
    %get3A_31 = vector.load %arg6[%get3A_29, %get3A_30] : memref<1x128xf32, #tpu.memory_space<vmem>>, vector<1x128xf32>
    %add3A_32 = vector.broadcast %get3A_31 : vector<1x128xf32> to vector<2000x128xf32>
    %add3A_33 = arith.addf %add3A_28, %add3A_32 : vector<2000x128xf32>
    %ge3A = arith.constant 0.000000e+00 : f32
    %ge3A_34 = vector.broadcast %ge3A : f32 to vector<2000x128xf32>
    %ge3A_35 = arith.cmpf oge, %add3A_33, %ge3A_34 : vector<2000x128xf32>
    %mul3A = arith.constant 0.00999999977 : f32
    %mul3A_36 = vector.broadcast %mul3A : f32 to vector<2000x128xf32>
    %mul3A_37 = arith.mulf %mul3A_36, %add3A_33 : vector<2000x128xf32>
    %select_n3A = arith.select %ge3A_35, %add3A_33, %mul3A_37 : vector<2000x128xi1>, vector<2000x128xf32>
    %swap3A = arith.constant 0 : index
    %swap3A_38 = arith.constant 0 : index
    %swap3A_39 = vector.load %arg7[%swap3A, %swap3A_38] : memref<2000x128xf32, #tpu.memory_space<vmem>>, vector<2000x128xf32>
    tpu.vector_store %arg7[%swap3A, %swap3A_38], %select_n3A {strides = array<i32>} : memref<2000x128xf32, #tpu.memory_space<vmem>>, vector<2000x128xf32>,
    return
  }
  func.func @transform_0(%arg0: i32) -> (i32, i32) {
    %c0_i32 = arith.constant 0 : i32
    %c0_i32_0 = arith.constant 0 : i32
    return %arg0, %c0_i32 : i32, i32
  }
  func.func @transform_1(%arg0: i32) -> (i32, i32, i32) {
    %c0_i32 = arith.constant 0 : i32
    %c0_i32_0 = arith.constant 0 : i32
    %c0_i32_1 = arith.constant 0 : i32
    return %c0_i32, %arg0, %c0_i32_0 : i32, i32, i32
  }
  func.func @transform_2(%arg0: i32) -> (i32, i32) {
    %c0_i32 = arith.constant 0 : i32
    %c0_i32_0 = arith.constant 0 : i32
    return %arg0, %c0_i32 : i32, i32
  }
  func.func @transform_3(%arg0: i32) -> (i32, i32) {
    %c0_i32 = arith.constant 0 : i32
    %c0_i32_0 = arith.constant 0 : i32
    %c0_i32_1 = arith.constant 0 : i32
    return %c0_i32, %c0_i32_0 : i32, i32
  }
  func.func @transform_4(%arg0: i32) -> (i32, i32) {
    %c0_i32 = arith.constant 0 : i32
    %c0_i32_0 = arith.constant 0 : i32
    %c0_i32_1 = arith.constant 0 : i32
    return %c0_i32, %c0_i32_0 : i32, i32
  }
  func.func @transform_5(%arg0: i32) -> (i32, i32) {
    %c0_i32 = arith.constant 0 : i32
    %c0_i32_0 = arith.constant 0 : i32
    %c0_i32_1 = arith.constant 0 : i32
    return %c0_i32, %c0_i32_0 : i32, i32
  }
  func.func @transform_6(%arg0: i32) -> (i32, i32) {
    %c0_i32 = arith.constant 0 : i32
    %c0_i32_0 = arith.constant 0 : i32
    return %arg0, %c0_i32 : i32, i32
  }
}

</mosaic_0001>

<sc_bundles>
// kernel: kernel.6.cloned.1.call-start
scs
__scs_entry_jumppad:
0x0: {  	(pc) =	sbr.rel $0x88, $3  }
0x1: {  	(tag) =	ssettag $0x0;
	lr =	simm.s32 $0x1  }
0x2: {  	[smem:$0x3F94] =	sst lr;
	_ =	strace $0xD0000000  }
0x3: {  	_ = 	snop  }
0x4: {  	_ = 	snop  }
0x5: {  	_ = 	snop  }
0x6: {  	_ = 	snop  }
0x7: {  	_ = 	snop  }
__scs_overlays_trampoline_lowered:
0x8: {  	[smem:$0x3FA3] =	sst s0  }
0x9: {  	[smem:$0x3FA4] =	sst s1  }
0xa: {  	[smem:$0x3FA5] =	sst s2  }
0xb: {  	[smem:$0x3FA6] =	sst s3  }
0xc: {  	[smem:$0x3FA7] =	sst s4  }
0xd: {  	[smem:$0x3FA8] =	sst s5  }
0xe: {  	[smem:$0x3FA9] =	sst s6  }
0xf: {  	[smem:$0x3FAA] =	sst s7  }
0x10: {  	[smem:$0x3FAB] =	sst s8  }
0x11: {  	[smem:$0x3FAC] =	sst s9;
	s0 =	simm.s32 @!p0 $0x0  }
0x12: {  	s1 =	sld [smem:$0x3F92];
	s0 =	simm.s32 @p0 $0x1  }
0x13: {  	[smem:$0x3FAD] =	sst s0;
	s0 =	simm.s32 @!p1 $0x0  }
0x14: {  	s2 =	sld [smem:$0x3F91];
	s0 =	simm.s32 @p1 $0x1  }
0x15: {  	[smem:$0x3FAE] =	sst s0;
	s0 =	simm.s32 @!p2 $0x0  }
0x16: {  	s3 =	sld [smem:$0x3FDB];
	s0 =	simm.s32 @p2 $0x1  }
0x17: {  	s4 =	simm.s32 $0x1BF5;
	[smem:$0x3FB0] =	sst s0  }
0x18: {  	s0 =	sld [smem:$0x3F93];
	_ =	swait.ge [sflag:s4], $0x0  }
0x19: {  	s7 =	sld [smem:$0x3F94]  }
0x1a: {  	s8 =	sadd.s32 $0xFFFFE003, lr  }
0x1b: {  	s9 =	sadd.s32 $0xFFFFFEF7, lr;
	s5 =	simm.s32 $0xFFFFFFFF;
	p2 =	slt.u32 s8, $0xFFFFF086  }
0x1c: {  	p1 =	slt.u32 s9, $0xF7A;
	s5 =	simm.s32 @!p2 $0x0  }
0x1d: {  	s5 =	simm.s32 @p1 $0x1;
	p0 =	seq.s32 s7, s2  }
0x1e: {  	s7 =	smul.u32 @!p0 $0xF7A, s2;
	p2 =	seq.s32 @!p0 s5, $0x0  }
0x1f: {  	s9 =	smul.u32 $0xF7A, s1;
	s8 =	simm.s32 @!p0 $0x1BF5;
	p2 =	por !p2, p0  }
0x20: {  	[sflag:s8] =	ssyncset.s32 @!p0 $0xFFFFF086;
	s6 =	sadd.s32 @!p0 s3, s7;
	s7 =	simm.s32 @!p0 $0x108  }
0x21: {  	s3 =	sadd.s32 s3, s9;
	s6 =	sadd.s32 @!p0 $0x88, s6;
	s7 =	simm.s32 @p2 $0x1082  }
0x22: {  	[simem:s7], [sflag:s8] =	dma.local @!p0 [hbm:s6], $0xF7A  }
0x23: {  	s9 =	sor.u32 $0xD0000000, s2;
	s6 =	simm.s32 $0x108;
	_ =	swait.ge @!p0 [sflag:s8], $0x0  }
0x24: {  	s3 =	sadd.s32 $0x88, s3;
	s6 =	simm.s32 @!p1 $0x1082;
	[sflag:s4] =	ssyncset.s32 $0xFFFFF086  }
0x25: {  	[simem:s6], [sflag:s4] =	dma.local [hbm:s3], $0xF7A  }
0x26: {  	[smem:$0x3F94] =	sst s1;
	(tag) =	ssettag s2;
	_ =	strace s9  }
0x27: {  	s1 =	sld [smem:$0x3FA4]  }
0x28: {  	s2 =	sld [smem:$0x3FA5]  }
0x29: {  	s4 =	sld [smem:$0x3FA7]  }
0x2a: {  	p0 =	seq.s32 s5, $0x0;
	s5 =	sld [smem:$0x3FA8]  }
0x2b: {  	s6 =	sld [smem:$0x3FA9]  }
0x2c: {  	s7 =	sld [smem:$0x3FAA]  }
0x2d: {  	s3 =	simm.s32 $0x108;
	s8 =	sld [smem:$0x3FAB]  }
0x2e: {  	s3 =	simm.s32 @!p0 $0x1082;
	s9 =	sld [smem:$0x3FAC]  }
0x2f: {  	lr =	sadd.s32 s0, s3;
	s0 =	sld [smem:$0x3FA3]  }
0x30: {  	s3 =	sld [smem:$0x3FA6]  }
0x31: {  	[smem:$0x3FAF] =	sst s10  }
0x32: {  	s10 =	sld [smem:$0x3FAD];
	_ =	sdelay $0x3  }
0x33: {  	p0 =	seq.s32 s10, $0x1;
	s10 =	sld [smem:$0x3FAF];
	_ =	sdelay $0x3  }
0x34: {  	[smem:$0x3FAF] =	sst s10  }
0x35: {  	s10 =	sld [smem:$0x3FAE];
	_ =	sdelay $0x3  }
0x36: {  	p1 =	seq.s32 s10, $0x1;
	s10 =	sld [smem:$0x3FAF];
	_ =	sdelay $0x3  }
0x37: {  	[smem:$0x3FAF] =	sst s10  }
0x38: {  	s10 =	sld [smem:$0x3FB0]  }
0x39: {  	_ = 	snop;
	(pc) =	sbr.ind lr, $3  }
0x3a: {  	_ = 	snop  }
0x3b: {  	_ = 	snop  }
0x3c: {  	p2 =	seq.s32 s10, $0x1;
	s10 =	sld [smem:$0x3FAF]  }
0x3d: {  	_ =	shalt  }
0x3e: {  	_ =	shalt  }
0x3f: {  	_ =	shalt  }
0x40: {  	_ =	shalt  }
0x41: {  	_ =	shalt  }
0x42: {  	_ =	shalt  }
0x43: {  	_ =	shalt  }
0x44: {  	_ =	shalt  }
0x45: {  	_ =	shalt  }
0x46: {  	_ =	shalt  }
0x47: {  	_ =	shalt  }
0x48: {  	_ =	shalt  }
0x49: {  	_ =	shalt  }
0x4a: {  	_ =	shalt  }
0x4b: {  	_ =	shalt  }
0x4c: {  	_ =	shalt  }
0x4d: {  	_ =	shalt  }
0x4e: {  	_ =	shalt  }
0x4f: {  	_ =	shalt  }
0x50: {  	_ =	shalt  }
0x51: {  	_ =	shalt  }
0x52: {  	_ =	shalt  }
0x53: {  	_ =	shalt  }
0x54: {  	_ =	shalt  }
0x55: {  	_ =	shalt  }
0x56: {  	_ =	shalt  }
0x57: {  	_ =	shalt  }
0x58: {  	_ =	shalt  }
0x59: {  	_ =	shalt  }
0x5a: {  	_ =	shalt  }
0x5b: {  	_ =	shalt  }
0x5c: {  	_ =	shalt  }
0x5d: {  	_ =	shalt  }
0x5e: {  	_ =	shalt  }
0x5f: {  	_ =	shalt  }
0x60: {  	_ =	shalt  }
0x61: {  	_ =	shalt  }
0x62: {  	_ =	shalt  }
0x63: {  	_ =	shalt  }
0x64: {  	_ =	shalt  }
0x65: {  	_ =	shalt  }
0x66: {  	_ =	shalt  }
0x67: {  	_ =	shalt  }
0x68: {  	_ =	shalt  }
0x69: {  	_ =	shalt  }
0x6a: {  	_ =	shalt  }
0x6b: {  	_ =	shalt  }
0x6c: {  	_ =	shalt  }
0x6d: {  	_ =	shalt  }
0x6e: {  	_ =	shalt  }
0x6f: {  	_ =	shalt  }
0x70: {  	_ =	shalt  }
0x71: {  	_ =	shalt  }
0x72: {  	_ =	shalt  }
0x73: {  	_ =	shalt  }
0x74: {  	_ =	shalt  }
0x75: {  	_ =	shalt  }
0x76: {  	_ =	shalt  }
0x77: {  	_ =	shalt  }
0x78: {  	_ =	shalt  }
0x79: {  	_ =	shalt  }
0x7a: {  	_ =	shalt  }
0x7b: {  	_ =	shalt  }
0x7c: {  	_ =	shalt  }
0x7d: {  	_ =	shalt  }
0x7e: {  	_ =	shalt  }
0x7f: {  	_ =	shalt  }
0x80: {  	_ =	shalt  }
0x81: {  	_ =	shalt  }
0x82: {  	_ =	shalt  }
0x83: {  	_ =	shalt  }
0x84: {  	_ =	shalt  }
0x85: {  	_ =	shalt  }
0x86: {  	_ =	shalt  }
0x87: {  	_ =	shalt  }
.Lfunc_end0:
.L_simem_size_0:
called_computation_lowered:
.L_overlay_start_0:
0x88: {  	s2 =	sld [smem:$0x3FD9]  }
0x89: {  	s3 =	sld [smem:$0x3FFE];
	_ =	sdelay $0x1  }
0x8a: {  	s1 =	srdreg.scid  }
0x8b: {  	s0 =	sand.u32 $0x1, s1  }
0x8c: {  	s17 =	sshll.u32 s0, $0xA;
	s2 =	sadd.s32 s3, s2  }
0x8d: {  	s2 =	sadd.s32 s2, s17  }
0x8e: {  	[smem:$0x3FBB] =	sst s2  }
0x8f: {  	_ = 	snop  }
0x90: {  	s2 =	sld [smem:$0x3FC9];
	(tm) =	ssettm $0x1  }
0x91: {  	s18 =	sld [smem:$0x3FFB];
	_ =	sdelay $0x3  }
0x92: {  	_ =	strace s18  }
0x93: {  	s3 =	sld [smem:$0x3FFC];
	_ =	sdelay $0x3  }
0x94: {  	_ =	strace s3  }
0x95: {  	s3 =	sld [smem:$0x3FFD];
	_ =	sdelay $0x3  }
0x96: {  	_ =	strace s3  }
0x97: {  	_ =	strace $0x8FFFFFFF  }
0x98: {  	s19 =	sld [smem:$0x3FDB];
	_ =	sdelay $0x1  }
0x99: {  	s4 =	simm.s32 $_scs_section_size  }
0x9a: {  	s5 =	simm.s32 $_size__tile_overlayer_lowered;
	s6 =	simm.s32 $_tile_overlayer_lowered  }
0x9b: {  	s22 =	simm.s32 $0x1BFF;
	s21 =	sshll.u32 s6, $0x1;
	s3 =	sadd.s32 s4, s19  }
0x9c: {  	s7 =	simm.s32 $0x0;
	s20 =	sshll.u32 s5, $0x1;
	s5 =	sadd.s32 s21, s3  }
0x9d: {  	[timem:s7], [sflag:s22] =	dma.local [hbm:s5], s20  }
0x9e: {  	_ =	swait.ge [sflag:s22], s20  }
0x9f: {  	s4 =	ssub.s32 $0x0, s20;
	[sflag:s22] =	ssyncset.done $0x0  }
0xa0: {  	[sflag:s22] =	ssyncadd.s32 s4;
	_ =	sdelay $0x1  }
0xa1: {  	s23 =	simm.s32 $0x1B8B  }
0xa2: {  	_ =	swait.ge [sflag:s23], $0x1  }
0xa3: {  	[sflag:s23] =	ssyncset.done $0x0  }
0xa4: {  	s25 =	simm.s32 $0x1B8E;
	s24 =	sld [smem:$0x3FFE];
	[sflag:s23] =	ssyncadd.s32 $0xFFFFFFFF  }
0xa5: {  	s26 =	simm.s32 $execute0_lowered;
	[smem:$0x3FD2] =	sst s25  }
0xa6: {  	s5 =	sshll.u32 s26, $0x1;
	_ =	strace $0x80000046;
	[dreg:$0x1] =	wrdreg $0xFFFFFFFF  }
0xa7: {  	s28 =	simm.s32 $_size_execute0_lowered;
	s3 =	sadd.s32 s3, s5;
	[dreg:$0x0] =	wrdreg $0x0  }
0xa8: {  	s5 =	sshll.u32 s28, $0x1;
	[dreg:$0x2] =	wrdreg s3  }
0xa9: {  	[dreg:$0x3] =	wrdreg s5  }
0xaa: {  	[dreg:$0x4] =	wrdreg $0xC0  }
0xab: {  	_ =	task [dreg:s7], $0x5FFFF  }
0xac: {  	[dreg:$0x1] =	wrdreg $0xFFFFFFFF  }
0xad: {  	[dreg:$0x0] =	wrdreg $0x60  }
0xae: {  	[dreg:$0x2] =	wrdreg s2  }
0xaf: {  	[dreg:$0x3] =	wrdreg s24  }
0xb0: {  	[dreg:$0x4] =	wrdreg $0x88000  }
0xb1: {  	[dreg:$0x5] =	wrdreg $0x9  }
0xb2: {  	_ =	task.clear_ibuf [dreg:s7], $0x6FFFF;
	_ =	strace $0x90000046  }
0xb3: {  	s29 =	simm.s32 $0x9;
	_ =	strace $0x80000048  }
0xb4: {  	_ =	swait.ge [sflag:s29], $0x1  }
0xb5: {  	[sflag:s29] =	ssyncadd.s32 $0xFFFFFFFF  }
0xb6: {  	_ =	strace $0x90000048  }
0xb7: {  	_ =	sfence  }
0xb8: {  	s30 =	sld [smem:$0x0];
	_ =	sdelay $0x2  }
0xb9: {  	s31 =	sshll.u32 s1, $0xD;
	s1 =	sshrl.u32 s1, $0x2  }
0xba: {  	s3 =	sand.u32 $0x4000, s31;
	s1 =	sadd.s32 s1, s30  }
0xbb: {  	s0 =	sor.u32 s3, s0;
	s1 =	sshll.u32 s1, $0x11  }
0xbc: {  	s0 =	sor.u32 s1, s0  }
0xbd: {  	s0 =	sadd.s32 $0x8F2B, s0  }
0xbe: {  	[sflag:s0] =	ssyncadd.remote.s32 $0x1  }
0xbf: {  	_ =	sfence.sel $0xFFFF  }
0xc0: {  	[dreg:$0x0] =	wrdreg $0xFFFFFFFF;
	(pc) =	sbr.abs _section_cstart, $3  }
0xc1: {  	[dreg:$0x1] =	wrdreg $0xFFFFFFFF  }
0xc2: {  	_ =	task.clear_ibuf [dreg:s7], $0x2FFFF;
	_ =	strace $0x9FFFFFFF  }
0xc3: {  	(tm) =	ssettm $0x7FFFFFFF  }
tec
execute0_lowered:
.L_overlay_start_1:
0x0: {  	(tag) =	ssettag $0x1  }
0x1: {  	s1 =	rddreg [dreg:$0x0]  }
0x2: {  	s0 =	rddreg [dreg:$0x1]  }
0x3: {  	s2 =	rddreg [dreg:$0x2]  }
0x4: {  	s3 =	srdreg.scid;
	s4 =	simm.s32 $0x0;
	s11 =	stileid.u32  }
0x5: {  	s12 =	simm.s32 $0x5;
	s13 =	simm.s32 $0x400;
	s14 =	simm.s32 $0x80  }
0x6: {  	s15 =	simm.s32 $0x800;
	s16 =	simm.s32 $0x1;
	s17 =	simm.s32 $0x4800  }
0x7: {  	s28 =	simm.s32 $0x580;
	s29 =	simm.s32 $0x280;
	s7 =	smul.u32 $0x13C00, s11  }
0x8: {  	s30 =	simm.s32 $0x600;
	s31 =	simm.s32 $0x300;
	s20 =	smul.u32 $0x4F000, s11  }
0x9: {  	s3 =	sand.u32 $0x1, s3;
	[smem:$0x7FF] =	sst s4;
	s23 =	smul.u32 $0x500, s11  }
0xa: {  	s9 =	sshll.u32 s11, $0x7;
	s24 =	sshll.u32 s11, $0x6;
	s5 =	smul.u32 $0x5000, s3  }
0xb: {  	s6 =	sshll.u32 s3, $0x4;
	_ =	strace $0x80000047;
	s8 =	smul.u32 $0x13C000, s3  }
0xc: {  	s18 =	sand.u32 $0x380, s9;
	s3 =	ssub.s32 $0x2, s3;
	s6 =	sor.u32 s11, s6  }
0xd: {  	s10 =	sshrl.u32 s7, $0x3;
	s21 =	sshrl.u32 s3, $0x1;
	s22 =	sshrl.u32 s20, $0x2  }
0xe: {  	s20 =	simm.s32 $0x2;
	s6 =	sshrl.u32 s6, $0x3;
	s5 =	sadd.s32 s5, s0  }
0xf: {  	s7 =	sadd.s32 s7, s8;
	s19 =	sadd.s32 s10, s0;
	s3 =	ssub.s32 s3, s21  }
0x10: {  	s21 =	simm.s32 $0x100;
	s8 =	simm.s32 $0x0;
	s6 =	smul.u32 $0x13C00, s6  }
0x11: {  	s7 =	sshrl.u32 s7, $0x3;
	s9 =	sadd.s32 $0x16E00, s19;
	s5 =	sadd.s32 s23, s5  }
0x12: {  	s25 =	smax.u32 s3, $0x1;
	s19 =	simm.s32 $0x3;
	s23 =	simm.s32 $0x4  }
0x13: {  	s3 =	simm.s32 $0x380;
	s7 =	sadd.s32 s7, s0;
	[dreg:$0x5] =	wrdreg s9  }
0x14: {  	s9 =	sor.u32 $0x1C05, s24;
	[dreg:$0x8] =	wrdreg s25;
	s26 =	sadd.s32 $0xCE00, s5  }
0x15: {  	s10 =	sadd.s32 $0x2E00, s5;
	s24 =	simm.s32 $0x180;
	s25 =	simm.s32 $0x500  }
0x16: {  	s5 =	simm.s32 $0x700;
	s6 =	sor.u32 s18, s6;
	s7 =	sadd.s32 $0x48400, s7  }
0x17: {  	[dreg:$0x4] =	wrdreg s26;
	s18 =	simm.s32 $0x1C400;
	s6 =	sshrl.u32 s6, $0x3  }
0x18: {  	s26 =	simm.s32 $0x200;
	[dreg:$0x9] =	wrdreg s9;
	s0 =	sadd.s32 s6, s0  }
0x19: {  	[dreg:$0x6] =	wrdreg s7;
	s6 =	sadd.s32 s22, s2;
	s0 =	sadd.s32 $0x3E600, s0  }
0x1a: {  	s7 =	simm.s32 $0x780;
	s11 =	sshrl.u32 s6, $0x3;
	[dreg:$0x7] =	wrdreg s0  }
0x1b: {  	v0 =	vimm.f32 $0.0e+00;
	s22 =	simm.s32 $0x480;
	s0 =	simm.s32 $0x680;
	[dreg:$0xa] =	wrdreg s11  }
.LBB2_1:
0x1c: {  	s6 =	rddreg [dreg:$0x5]  }
0x1d: {  	[spmem:s11], [sflag:s9] =	dma.local [hbm:s6], $0x2780  }
0x1e: {  	_ =	swait.ge [sflag:s12], $0x2780  }
0x1f: {  	[sflag:s12] =	ssyncset.done $0x0  }
0x20: {  	s9 =	simm.s32 $0x40;
	s6 =	simm.s32 $0x0;
	[sflag:s12] =	ssyncadd.s32 $0xFFFFD880  }
.LBB2_2:
0x21: {  	p0 =	sne.s32 s9, $0x9DC0;
	[tilespmem:s6+$0x1C400] =	vst v0;
	s6 =	smov.u32 s9;
	s9 =	sadd.s32 $0x40, s9  }
.Ltmp0:
0x22: {  	(pc) =	sbr.rel @p0 .LBB2_2-.Ltmp0, $2  }
0x23: {  	_ =	sdelay $0x2  }
0x24: {  	s6 =	sshra.s32 s6, $0x2  }
0x25: {  	[tilespmem:s6+$0x1C400] =	vst v0  }
0x26: {  	s9 =	simm.s32 $0x0;
	[bflag:$0x0] =	sbarrier.arrive $0xFFFF  }
.LBB2_4:
0x27: {  	s6 =	sadd.s32 s9, s10  }
0x28: {  	[tilespmem:s4], [sflag:$0x5] =	stream.linear.gather [hbm4b:s6+s4], $0x400, $0x38;
	[tilespmem:$0x1EB80] =	vst v63  }
0x29: {  	_ =	swait.ge [sflag:s12], $0x400  }
0x2a: {  	s11 =	rddreg [dreg:$0x4];
	[sflag:s12] =	ssyncset.done $0x0  }
0x2b: {  	[sflag:s12] =	ssyncadd.s32 $0xFFFFFC00;
	s6 =	sadd.s32 s9, s11  }
0x2c: {  	[tilespmem:s13], [sflag:$0x5] =	stream.linear.gather [hbm4b:s6+s4], $0x400, $0x38;
	[tilespmem:$0x1EB80] =	vst v63  }
0x2d: {  	_ =	swait.ge [sflag:s12], $0x400  }
0x2e: {  	[sflag:s12] =	ssyncset.done $0x0  }
0x2f: {  	[sflag:s12] =	ssyncadd.s32 $0xFFFFFC00  }
0x30: {  	[tilespmem:s15], [sflag:$0x1] =	stream.indirect.gather [hbm4b:s1+s14], $0x80, s4, s14, $0xb8;
	[tilespmem:$0x1EB80] =	vst v63  }
0x31: {  	_ =	swait.ge [sflag:s16], $0x4000  }
0x32: {  	[sflag:s16] =	ssyncset.done $0x0  }
0x33: {  	[sflag:s16] =	ssyncadd.s32 $0xFFFFC000  }
0x34: {  	[tilespmem:s17], [sflag:$0x2] =	stream.indirect.gather [hbm4b:s1+s14], $0x80, s14, s14, $0xb8;
	[tilespmem:$0x1EB80] =	vst v63  }
0x35: {  	v1 =	vld [tilespmem:$0x400];
	_ =	sdelay $0x4  }
0x36: {  	(xrf1) =	vunique.msk.u32 $0xffff, v1;
	_ =	sdelay $0xd  }
0x37: {  	_, v2, vm0 =	vpop (xrf1);
	_ =	sdelay $0x3  }
0x38: {  	v2 =	vcvt.s32.f32 v2;
	_ =	sdelay $0x1  }
0x39: {  	[tilespmem:v1+s18+$0x0] =	vst.idx.add.f32.msk vm0, v2  }
0x3a: {  	v1 =	vld [tilespmem:$0x410];
	_ =	sdelay $0x4  }
0x3b: {  	(xrf1) =	vunique.msk.u32 $0xffff, v1;
	_ =	sdelay $0xd  }
0x3c: {  	_, v2, vm0 =	vpop (xrf1);
	_ =	sdelay $0x3  }
0x3d: {  	v2 =	vcvt.s32.f32 v2;
	_ =	sdelay $0x1  }
0x3e: {  	[tilespmem:v1+s18+$0x0] =	vst.idx.add.f32.msk vm0, v2  }
0x3f: {  	v1 =	vld [tilespmem:$0x420];
	_ =	sdelay $0x4  }
0x40: {  	(xrf1) =	vunique.msk.u32 $0xffff, v1;
	_ =	sdelay $0xd  }
0x41: {  	_, v2, vm0 =	vpop (xrf1);
	_ =	sdelay $0x3  }
0x42: {  	v2 =	vcvt.s32.f32 v2;
	_ =	sdelay $0x1  }
0x43: {  	[tilespmem:v1+s18+$0x0] =	vst.idx.add.f32.msk vm0, v2  }
0x44: {  	v1 =	vld [tilespmem:$0x430];
	_ =	sdelay $0x4  }
0x45: {  	(xrf1) =	vunique.msk.u32 $0xffff, v1;
	_ =	sdelay $0xd  }
0x46: {  	_, v2, vm0 =	vpop (xrf1);
	_ =	sdelay $0x3  }
0x47: {  	v2 =	vcvt.s32.f32 v2;
	_ =	sdelay $0x1  }
0x48: {  	[tilespmem:v1+s18+$0x0] =	vst.idx.add.f32.msk vm0, v2  }
0x49: {  	v1 =	vld [tilespmem:$0x440];
	_ =	sdelay $0x4  }
0x4a: {  	(xrf1) =	vunique.msk.u32 $0xffff, v1;
	_ =	sdelay $0xd  }
0x4b: {  	_, v2, vm0 =	vpop (xrf1);
	_ =	sdelay $0x3  }
0x4c: {  	v2 =	vcvt.s32.f32 v2;
	_ =	sdelay $0x1  }
0x4d: {  	[tilespmem:v1+s18+$0x0] =	vst.idx.add.f32.msk vm0, v2  }
0x4e: {  	v1 =	vld [tilespmem:$0x450];
	_ =	sdelay $0x4  }
0x4f: {  	(xrf1) =	vunique.msk.u32 $0xffff, v1;
	_ =	sdelay $0xd  }
0x50: {  	_, v2, vm0 =	vpop (xrf1);
	_ =	sdelay $0x3  }
0x51: {  	v2 =	vcvt.s32.f32 v2;
	_ =	sdelay $0x1  }
0x52: {  	[tilespmem:v1+s18+$0x0] =	vst.idx.add.f32.msk vm0, v2  }
0x53: {  	v1 =	vld [tilespmem:$0x460];
	_ =	sdelay $0x4  }
0x54: {  	(xrf1) =	vunique.msk.u32 $0xffff, v1;
	_ =	sdelay $0xd  }
0x55: {  	_, v2, vm0 =	vpop (xrf1);
	_ =	sdelay $0x3  }
0x56: {  	v2 =	vcvt.s32.f32 v2;
	_ =	sdelay $0x1  }
0x57: {  	[tilespmem:v1+s18+$0x0] =	vst.idx.add.f32.msk vm0, v2  }
0x58: {  	v1 =	vld [tilespmem:$0x470];
	_ =	sdelay $0x4  }
0x59: {  	(xrf1) =	vunique.msk.u32 $0xffff, v1;
	_ =	sdelay $0xd  }
0x5a: {  	_, v2, vm0 =	vpop (xrf1);
	_ =	sdelay $0x3  }
0x5b: {  	v2 =	vcvt.s32.f32 v2;
	_ =	sdelay $0x1  }
0x5c: {  	[tilespmem:v1+s18+$0x0] =	vst.idx.add.f32.msk vm0, v2  }
0x5d: {  	[spmem:s2] =	stream.indirect.scatter.add.f32 [tilespmem:s15], [sflag:$0x3], $0x80, s13, s14, $0xb8;
	[tilespmem:$0x1EB80] =	vst v63  }
0x5e: {  	_ =	swait.ge [sflag:s19], $0x4000  }
0x5f: {  	[sflag:s19] =	ssyncset.done $0x0  }
0x60: {  	[sflag:s19] =	ssyncadd.s32 $0xFFFFC000  }
0x61: {  	_ =	swait.ge [sflag:s20], $0x4000  }
0x62: {  	[sflag:s20] =	ssyncset.done $0x0  }
0x63: {  	[sflag:s20] =	ssyncadd.s32 $0xFFFFC000  }
0x64: {  	[tilespmem:s15], [sflag:$0x1] =	stream.indirect.gather [hbm4b:s1+s14], $0x80, s21, s14, $0xb8;
	[tilespmem:$0x1EB80] =	vst v63  }
0x65: {  	v1 =	vld [tilespmem:$0x480];
	_ =	sdelay $0x4  }
0x66: {  	(xrf1) =	vunique.msk.u32 $0xffff, v1;
	_ =	sdelay $0xd  }
0x67: {  	_, v2, vm0 =	vpop (xrf1);
	_ =	sdelay $0x3  }
0x68: {  	v2 =	vcvt.s32.f32 v2;
	_ =	sdelay $0x1  }
0x69: {  	[tilespmem:v1+s18+$0x0] =	vst.idx.add.f32.msk vm0, v2  }
0x6a: {  	v1 =	vld [tilespmem:$0x490];
	_ =	sdelay $0x4  }
0x6b: {  	(xrf1) =	vunique.msk.u32 $0xffff, v1;
	_ =	sdelay $0xd  }
0x6c: {  	_, v2, vm0 =	vpop (xrf1);
	_ =	sdelay $0x3  }
0x6d: {  	v2 =	vcvt.s32.f32 v2;
	_ =	sdelay $0x1  }
0x6e: {  	[tilespmem:v1+s18+$0x0] =	vst.idx.add.f32.msk vm0, v2  }
0x6f: {  	v1 =	vld [tilespmem:$0x4A0];
	_ =	sdelay $0x4  }
0x70: {  	(xrf1) =	vunique.msk.u32 $0xffff, v1;
	_ =	sdelay $0xd  }
0x71: {  	_, v2, vm0 =	vpop (xrf1);
	_ =	sdelay $0x3  }
0x72: {  	v2 =	vcvt.s32.f32 v2;
	_ =	sdelay $0x1  }
0x73: {  	[tilespmem:v1+s18+$0x0] =	vst.idx.add.f32.msk vm0, v2  }
0x74: {  	v1 =	vld [tilespmem:$0x4B0];
	_ =	sdelay $0x4  }
0x75: {  	(xrf1) =	vunique.msk.u32 $0xffff, v1;
	_ =	sdelay $0xd  }
0x76: {  	_, v2, vm0 =	vpop (xrf1);
	_ =	sdelay $0x3  }
0x77: {  	v2 =	vcvt.s32.f32 v2;
	_ =	sdelay $0x1  }
0x78: {  	[tilespmem:v1+s18+$0x0] =	vst.idx.add.f32.msk vm0, v2  }
0x79: {  	v1 =	vld [tilespmem:$0x4C0];
	_ =	sdelay $0x4  }
0x7a: {  	(xrf1) =	vunique.msk.u32 $0xffff, v1;
	_ =	sdelay $0xd  }
0x7b: {  	_, v2, vm0 =	vpop (xrf1);
	_ =	sdelay $0x3  }
0x7c: {  	v2 =	vcvt.s32.f32 v2;
	_ =	sdelay $0x1  }
0x7d: {  	[tilespmem:v1+s18+$0x0] =	vst.idx.add.f32.msk vm0, v2  }
0x7e: {  	v1 =	vld [tilespmem:$0x4D0];
	_ =	sdelay $0x4  }
0x7f: {  	(xrf1) =	vunique.msk.u32 $0xffff, v1;
	_ =	sdelay $0xd  }
0x80: {  	_, v2, vm0 =	vpop (xrf1);
	_ =	sdelay $0x3  }
0x81: {  	v2 =	vcvt.s32.f32 v2;
	_ =	sdelay $0x1  }
0x82: {  	[tilespmem:v1+s18+$0x0] =	vst.idx.add.f32.msk vm0, v2  }
0x83: {  	v1 =	vld [tilespmem:$0x4E0];
	_ =	sdelay $0x4  }
0x84: {  	(xrf1) =	vunique.msk.u32 $0xffff, v1;
	_ =	sdelay $0xd  }
0x85: {  	_, v2, vm0 =	vpop (xrf1);
	_ =	sdelay $0x3  }
0x86: {  	v2 =	vcvt.s32.f32 v2;
	_ =	sdelay $0x1  }
0x87: {  	[tilespmem:v1+s18+$0x0] =	vst.idx.add.f32.msk vm0, v2  }
0x88: {  	v1 =	vld [tilespmem:$0x4F0];
	_ =	sdelay $0x4  }
0x89: {  	(xrf1) =	vunique.msk.u32 $0xffff, v1;
	_ =	sdelay $0xd  }
0x8a: {  	_, v2, vm0 =	vpop (xrf1);
	_ =	sdelay $0x3  }
0x8b: {  	v2 =	vcvt.s32.f32 v2;
	_ =	sdelay $0x1  }
0x8c: {  	[tilespmem:v1+s18+$0x0] =	vst.idx.add.f32.msk vm0, v2  }
0x8d: {  	[spmem:s2] =	stream.indirect.scatter.add.f32 [tilespmem:s17], [sflag:$0x4], $0x80, s22, s14, $0xb8;
	[tilespmem:$0x1EB80] =	vst v63  }
0x8e: {  	_ =	swait.ge [sflag:s23], $0x4000  }
0x8f: {  	[sflag:s23] =	ssyncset.done $0x0  }
0x90: {  	[sflag:s23] =	ssyncadd.s32 $0xFFFFC000  }
0x91: {  	_ =	swait.ge [sflag:s16], $0x4000  }
0x92: {  	[sflag:s16] =	ssyncset.done $0x0  }
0x93: {  	[sflag:s16] =	ssyncadd.s32 $0xFFFFC000  }
0x94: {  	[tilespmem:s17], [sflag:$0x2] =	stream.indirect.gather [hbm4b:s1+s14], $0x80, s24, s14, $0xb8;
	[tilespmem:$0x1EB80] =	vst v63  }
0x95: {  	v1 =	vld [tilespmem:$0x500];
	_ =	sdelay $0x4  }
0x96: {  	(xrf1) =	vunique.msk.u32 $0xffff, v1;
	_ =	sdelay $0xd  }
0x97: {  	_, v2, vm0 =	vpop (xrf1);
	_ =	sdelay $0x3  }
0x98: {  	v2 =	vcvt.s32.f32 v2;
	_ =	sdelay $0x1  }
0x99: {  	[tilespmem:v1+s18+$0x0] =	vst.idx.add.f32.msk vm0, v2  }
0x9a: {  	v1 =	vld [tilespmem:$0x510];
	_ =	sdelay $0x4  }
0x9b: {  	(xrf1) =	vunique.msk.u32 $0xffff, v1;
	_ =	sdelay $0xd  }
0x9c: {  	_, v2, vm0 =	vpop (xrf1);
	_ =	sdelay $0x3  }
0x9d: {  	v2 =	vcvt.s32.f32 v2;
	_ =	sdelay $0x1  }
0x9e: {  	[tilespmem:v1+s18+$0x0] =	vst.idx.add.f32.msk vm0, v2  }
0x9f: {  	v1 =	vld [tilespmem:$0x520];
	_ =	sdelay $0x4  }
0xa0: {  	(xrf1) =	vunique.msk.u32 $0xffff, v1;
	_ =	sdelay $0xd  }
0xa1: {  	_, v2, vm0 =	vpop (xrf1);
	_ =	sdelay $0x3  }
0xa2: {  	v2 =	vcvt.s32.f32 v2;
	_ =	sdelay $0x1  }
0xa3: {  	[tilespmem:v1+s18+$0x0] =	vst.idx.add.f32.msk vm0, v2  }
0xa4: {  	v1 =	vld [tilespmem:$0x530];
	_ =	sdelay $0x4  }
0xa5: {  	(xrf1) =	vunique.msk.u32 $0xffff, v1;
	_ =	sdelay $0xd  }
0xa6: {  	_, v2, vm0 =	vpop (xrf1);
	_ =	sdelay $0x3  }
0xa7: {  	v2 =	vcvt.s32.f32 v2;
	_ =	sdelay $0x1  }
0xa8: {  	[tilespmem:v1+s18+$0x0] =	vst.idx.add.f32.msk vm0, v2  }
0xa9: {  	v1 =	vld [tilespmem:$0x540];
	_ =	sdelay $0x4  }
0xaa: {  	(xrf1) =	vunique.msk.u32 $0xffff, v1;
	_ =	sdelay $0xd  }
0xab: {  	_, v2, vm0 =	vpop (xrf1);
	_ =	sdelay $0x3  }
0xac: {  	v2 =	vcvt.s32.f32 v2;
	_ =	sdelay $0x1  }
0xad: {  	[tilespmem:v1+s18+$0x0] =	vst.idx.add.f32.msk vm0, v2  }
0xae: {  	v1 =	vld [tilespmem:$0x550];
	_ =	sdelay $0x4  }
0xaf: {  	(xrf1) =	vunique.msk.u32 $0xffff, v1;
	_ =	sdelay $0xd  }
0xb0: {  	_, v2, vm0 =	vpop (xrf1);
	_ =	sdelay $0x3  }
0xb1: {  	v2 =	vcvt.s32.f32 v2;
	_ =	sdelay $0x1  }
0xb2: {  	[tilespmem:v1+s18+$0x0] =	vst.idx.add.f32.msk vm0, v2  }
0xb3: {  	v1 =	vld [tilespmem:$0x560];
	_ =	sdelay $0x4  }
0xb4: {  	(xrf1) =	vunique.msk.u32 $0xffff, v1;
	_ =	sdelay $0xd  }
0xb5: {  	_, v2, vm0 =	vpop (xrf1);
	_ =	sdelay $0x3  }
0xb6: {  	v2 =	vcvt.s32.f32 v2;
	_ =	sdelay $0x1  }
0xb7: {  	[tilespmem:v1+s18+$0x0] =	vst.idx.add.f32.msk vm0, v2  }
0xb8: {  	v1 =	vld [tilespmem:$0x570];
	_ =	sdelay $0x4  }
0xb9: {  	(xrf1) =	vunique.msk.u32 $0xffff, v1;
	_ =	sdelay $0xd  }
0xba: {  	_, v2, vm0 =	vpop (xrf1);
	_ =	sdelay $0x3  }
0xbb: {  	v2 =	vcvt.s32.f32 v2;
	_ =	sdelay $0x1  }
0xbc: {  	[tilespmem:v1+s18+$0x0] =	vst.idx.add.f32.msk vm0, v2  }
0xbd: {  	[spmem:s2] =	stream.indirect.scatter.add.f32 [tilespmem:s15], [sflag:$0x3], $0x80, s25, s14, $0xb8;
	[tilespmem:$0x1EB80] =	vst v63  }
0xbe: {  	_ =	swait.ge [sflag:s19], $0x4000  }
0xbf: {  	[sflag:s19] =	ssyncset.done $0x0  }
0xc0: {  	[sflag:s19] =	ssyncadd.s32 $0xFFFFC000  }
0xc1: {  	_ =	swait.ge [sflag:s20], $0x4000  }
0xc2: {  	[sflag:s20] =	ssyncset.done $0x0  }
0xc3: {  	[sflag:s20] =	ssyncadd.s32 $0xFFFFC000  }
0xc4: {  	[tilespmem:s15], [sflag:$0x1] =	stream.indirect.gather [hbm4b:s1+s14], $0x80, s26, s14, $0xb8;
	[tilespmem:$0x1EB80] =	vst v63  }
0xc5: {  	v1 =	vld [tilespmem:$0x580];
	_ =	sdelay $0x4  }
0xc6: {  	(xrf1) =	vunique.msk.u32 $0xffff, v1;
	_ =	sdelay $0xd  }
0xc7: {  	_, v2, vm0 =	vpop (xrf1);
	_ =	sdelay $0x3  }
0xc8: {  	v2 =	vcvt.s32.f32 v2;
	_ =	sdelay $0x1  }
0xc9: {  	[tilespmem:v1+s18+$0x0] =	vst.idx.add.f32.msk vm0, v2  }
0xca: {  	v1 =	vld [tilespmem:$0x590];
	_ =	sdelay $0x4  }
0xcb: {  	(xrf1) =	vunique.msk.u32 $0xffff, v1;
	_ =	sdelay $0xd  }
0xcc: {  	_, v2, vm0 =	vpop (xrf1);
	_ =	sdelay $0x3  }
0xcd: {  	v2 =	vcvt.s32.f32 v2;
	_ =	sdelay $0x1  }
0xce: {  	[tilespmem:v1+s18+$0x0] =	vst.idx.add.f32.msk vm0, v2  }
0xcf: {  	v1 =	vld [tilespmem:$0x5A0];
	_ =	sdelay $0x4  }
0xd0: {  	(xrf1) =	vunique.msk.u32 $0xffff, v1;
	_ =	sdelay $0xd  }
0xd1: {  	_, v2, vm0 =	vpop (xrf1);
	_ =	sdelay $0x3  }
0xd2: {  	v2 =	vcvt.s32.f32 v2;
	_ =	sdelay $0x1  }
0xd3: {  	[tilespmem:v1+s18+$0x0] =	vst.idx.add.f32.msk vm0, v2  }
0xd4: {  	v1 =	vld [tilespmem:$0x5B0];
	_ =	sdelay $0x4  }
0xd5: {  	(xrf1) =	vunique.msk.u32 $0xffff, v1;
	_ =	sdelay $0xd  }
0xd6: {  	_, v2, vm0 =	vpop (xrf1);
	_ =	sdelay $0x3  }
0xd7: {  	v2 =	vcvt.s32.f32 v2;
	_ =	sdelay $0x1  }
0xd8: {  	[tilespmem:v1+s18+$0x0] =	vst.idx.add.f32.msk vm0, v2  }
0xd9: {  	v1 =	vld [tilespmem:$0x5C0];
	_ =	sdelay $0x4  }
0xda: {  	(xrf1) =	vunique.msk.u32 $0xffff, v1;
	_ =	sdelay $0xd  }
0xdb: {  	_, v2, vm0 =	vpop (xrf1);
	_ =	sdelay $0x3  }
0xdc: {  	v2 =	vcvt.s32.f32 v2;
	_ =	sdelay $0x1  }
0xdd: {  	[tilespmem:v1+s18+$0x0] =	vst.idx.add.f32.msk vm0, v2  }
0xde: {  	v1 =	vld [tilespmem:$0x5D0];
	_ =	sdelay $0x4  }
0xdf: {  	(xrf1) =	vunique.msk.u32 $0xffff, v1;
	_ =	sdelay $0xd  }
0xe0: {  	_, v2, vm0 =	vpop (xrf1);
	_ =	sdelay $0x3  }
0xe1: {  	v2 =	vcvt.s32.f32 v2;
	_ =	sdelay $0x1  }
0xe2: {  	[tilespmem:v1+s18+$0x0] =	vst.idx.add.f32.msk vm0, v2  }
0xe3: {  	v1 =	vld [tilespmem:$0x5E0];
	_ =	sdelay $0x4  }
0xe4: {  	(xrf1) =	vunique.msk.u32 $0xffff, v1;
	_ =	sdelay $0xd  }
0xe5: {  	_, v2, vm0 =	vpop (xrf1);
	_ =	sdelay $0x3  }
0xe6: {  	v2 =	vcvt.s32.f32 v2;
	_ =	sdelay $0x1  }
0xe7: {  	[tilespmem:v1+s18+$0x0] =	vst.idx.add.f32.msk vm0, v2  }
0xe8: {  	v1 =	vld [tilespmem:$0x5F0];
	_ =	sdelay $0x4  }
0xe9: {  	(xrf1) =	vunique.msk.u32 $0xffff, v1;
	_ =	sdelay $0xd  }
0xea: {  	_, v2, vm0 =	vpop (xrf1);
	_ =	sdelay $0x3  }
0xeb: {  	v2 =	vcvt.s32.f32 v2;
	_ =	sdelay $0x1  }
0xec: {  	[tilespmem:v1+s18+$0x0] =	vst.idx.add.f32.msk vm0, v2  }
0xed: {  	[spmem:s2] =	stream.indirect.scatter.add.f32 [tilespmem:s17], [sflag:$0x4], $0x80, s28, s14, $0xb8;
	[tilespmem:$0x1EB80] =	vst v63  }
0xee: {  	_ =	swait.ge [sflag:s23], $0x4000  }
0xef: {  	[sflag:s23] =	ssyncset.done $0x0  }
0xf0: {  	[sflag:s23] =	ssyncadd.s32 $0xFFFFC000  }
0xf1: {  	_ =	swait.ge [sflag:s16], $0x4000  }
0xf2: {  	[sflag:s16] =	ssyncset.done $0x0  }
0xf3: {  	[sflag:s16] =	ssyncadd.s32 $0xFFFFC000  }
0xf4: {  	[tilespmem:s17], [sflag:$0x2] =	stream.indirect.gather [hbm4b:s1+s14], $0x80, s29, s14, $0xb8;
	[tilespmem:$0x1EB80] =	vst v63  }
0xf5: {  	v1 =	vld [tilespmem:$0x600];
	_ =	sdelay $0x4  }
0xf6: {  	(xrf1) =	vunique.msk.u32 $0xffff, v1;
	_ =	sdelay $0xd  }
0xf7: {  	_, v2, vm0 =	vpop (xrf1);
	_ =	sdelay $0x3  }
0xf8: {  	v2 =	vcvt.s32.f32 v2;
	_ =	sdelay $0x1  }
0xf9: {  	[tilespmem:v1+s18+$0x0] =	vst.idx.add.f32.msk vm0, v2  }
0xfa: {  	v1 =	vld [tilespmem:$0x610];
	_ =	sdelay $0x4  }
0xfb: {  	(xrf1) =	vunique.msk.u32 $0xffff, v1;
	_ =	sdelay $0xd  }
0xfc: {  	_, v2, vm0 =	vpop (xrf1);
	_ =	sdelay $0x3  }
0xfd: {  	v2 =	vcvt.s32.f32 v2;
	_ =	sdelay $0x1  }
0xfe: {  	[tilespmem:v1+s18+$0x0] =	vst.idx.add.f32.msk vm0, v2  }
0xff: {  	v1 =	vld [tilespmem:$0x620];
	_ =	sdelay $0x4  }
0x100: {  	(xrf1) =	vunique.msk.u32 $0xffff, v1;
	_ =	sdelay $0xd  }
0x101: {  	_, v2, vm0 =	vpop (xrf1);
	_ =	sdelay $0x3  }
0x102: {  	v2 =	vcvt.s32.f32 v2;
	_ =	sdelay $0x1  }
0x103: {  	[tilespmem:v1+s18+$0x0] =	vst.idx.add.f32.msk vm0, v2  }
0x104: {  	v1 =	vld [tilespmem:$0x630];
	_ =	sdelay $0x4  }
0x105: {  	(xrf1) =	vunique.msk.u32 $0xffff, v1;
	_ =	sdelay $0xd  }
0x106: {  	_, v2, vm0 =	vpop (xrf1);
	_ =	sdelay $0x3  }
0x107: {  	v2 =	vcvt.s32.f32 v2;
	_ =	sdelay $0x1  }
0x108: {  	[tilespmem:v1+s18+$0x0] =	vst.idx.add.f32.msk vm0, v2  }
0x109: {  	v1 =	vld [tilespmem:$0x640];
	_ =	sdelay $0x4  }
0x10a: {  	(xrf1) =	vunique.msk.u32 $0xffff, v1;
	_ =	sdelay $0xd  }
0x10b: {  	_, v2, vm0 =	vpop (xrf1);
	_ =	sdelay $0x3  }
0x10c: {  	v2 =	vcvt.s32.f32 v2;
	_ =	sdelay $0x1  }
0x10d: {  	[tilespmem:v1+s18+$0x0] =	vst.idx.add.f32.msk vm0, v2  }
0x10e: {  	v1 =	vld [tilespmem:$0x650];
	_ =	sdelay $0x4  }
0x10f: {  	(xrf1) =	vunique.msk.u32 $0xffff, v1;
	_ =	sdelay $0xd  }
0x110: {  	_, v2, vm0 =	vpop (xrf1);
	_ =	sdelay $0x3  }
0x111: {  	v2 =	vcvt.s32.f32 v2;
	_ =	sdelay $0x1  }
0x112: {  	[tilespmem:v1+s18+$0x0] =	vst.idx.add.f32.msk vm0, v2  }
0x113: {  	v1 =	vld [tilespmem:$0x660];
	_ =	sdelay $0x4  }
0x114: {  	(xrf1) =	vunique.msk.u32 $0xffff, v1;
	_ =	sdelay $0xd  }
0x115: {  	_, v2, vm0 =	vpop (xrf1);
	_ =	sdelay $0x3  }
0x116: {  	v2 =	vcvt.s32.f32 v2;
	_ =	sdelay $0x1  }
0x117: {  	[tilespmem:v1+s18+$0x0] =	vst.idx.add.f32.msk vm0, v2  }
0x118: {  	v1 =	vld [tilespmem:$0x670];
	_ =	sdelay $0x4  }
0x119: {  	(xrf1) =	vunique.msk.u32 $0xffff, v1;
	_ =	sdelay $0xd  }
0x11a: {  	_, v2, vm0 =	vpop (xrf1);
	_ =	sdelay $0x3  }
0x11b: {  	v2 =	vcvt.s32.f32 v2;
	_ =	sdelay $0x1  }
0x11c: {  	[tilespmem:v1+s18+$0x0] =	vst.idx.add.f32.msk vm0, v2  }
0x11d: {  	[spmem:s2] =	stream.indirect.scatter.add.f32 [tilespmem:s15], [sflag:$0x3], $0x80, s30, s14, $0xb8;
	[tilespmem:$0x1EB80] =	vst v63  }
0x11e: {  	_ =	swait.ge [sflag:s19], $0x4000  }
0x11f: {  	[sflag:s19] =	ssyncset.done $0x0  }
0x120: {  	[sflag:s19] =	ssyncadd.s32 $0xFFFFC000  }
0x121: {  	_ =	swait.ge [sflag:s20], $0x4000  }
0x122: {  	[sflag:s20] =	ssyncset.done $0x0  }
0x123: {  	[sflag:s20] =	ssyncadd.s32 $0xFFFFC000  }
0x124: {  	[tilespmem:s15], [sflag:$0x1] =	stream.indirect.gather [hbm4b:s1+s14], $0x80, s31, s14, $0xb8;
	[tilespmem:$0x1EB80] =	vst v63  }
0x125: {  	v1 =	vld [tilespmem:$0x680];
	_ =	sdelay $0x4  }
0x126: {  	(xrf1) =	vunique.msk.u32 $0xffff, v1;
	_ =	sdelay $0xd  }
0x127: {  	_, v2, vm0 =	vpop (xrf1);
	_ =	sdelay $0x3  }
0x128: {  	v2 =	vcvt.s32.f32 v2;
	_ =	sdelay $0x1  }
0x129: {  	[tilespmem:v1+s18+$0x0] =	vst.idx.add.f32.msk vm0, v2  }
0x12a: {  	v1 =	vld [tilespmem:$0x690];
	_ =	sdelay $0x4  }
0x12b: {  	(xrf1) =	vunique.msk.u32 $0xffff, v1;
	_ =	sdelay $0xd  }
0x12c: {  	_, v2, vm0 =	vpop (xrf1);
	_ =	sdelay $0x3  }
0x12d: {  	v2 =	vcvt.s32.f32 v2;
	_ =	sdelay $0x1  }
0x12e: {  	[tilespmem:v1+s18+$0x0] =	vst.idx.add.f32.msk vm0, v2  }
0x12f: {  	v1 =	vld [tilespmem:$0x6A0];
	_ =	sdelay $0x4  }
0x130: {  	(xrf1) =	vunique.msk.u32 $0xffff, v1;
	_ =	sdelay $0xd  }
0x131: {  	_, v2, vm0 =	vpop (xrf1);
	_ =	sdelay $0x3  }
0x132: {  	v2 =	vcvt.s32.f32 v2;
	_ =	sdelay $0x1  }
0x133: {  	[tilespmem:v1+s18+$0x0] =	vst.idx.add.f32.msk vm0, v2  }
0x134: {  	v1 =	vld [tilespmem:$0x6B0];
	_ =	sdelay $0x4  }
0x135: {  	(xrf1) =	vunique.msk.u32 $0xffff, v1;
	_ =	sdelay $0xd  }
0x136: {  	_, v2, vm0 =	vpop (xrf1);
	_ =	sdelay $0x3  }
0x137: {  	v2 =	vcvt.s32.f32 v2;
	_ =	sdelay $0x1  }
0x138: {  	[tilespmem:v1+s18+$0x0] =	vst.idx.add.f32.msk vm0, v2  }
0x139: {  	v1 =	vld [tilespmem:$0x6C0];
	_ =	sdelay $0x4  }
0x13a: {  	(xrf1) =	vunique.msk.u32 $0xffff, v1;
	_ =	sdelay $0xd  }
0x13b: {  	_, v2, vm0 =	vpop (xrf1);
	_ =	sdelay $0x3  }
0x13c: {  	v2 =	vcvt.s32.f32 v2;
	_ =	sdelay $0x1  }
0x13d: {  	[tilespmem:v1+s18+$0x0] =	vst.idx.add.f32.msk vm0, v2  }
0x13e: {  	v1 =	vld [tilespmem:$0x6D0];
	_ =	sdelay $0x4  }
0x13f: {  	(xrf1) =	vunique.msk.u32 $0xffff, v1;
	_ =	sdelay $0xd  }
0x140: {  	_, v2, vm0 =	vpop (xrf1);
	_ =	sdelay $0x3  }
0x141: {  	v2 =	vcvt.s32.f32 v2;
	_ =	sdelay $0x1  }
0x142: {  	[tilespmem:v1+s18+$0x0] =	vst.idx.add.f32.msk vm0, v2  }
0x143: {  	v1 =	vld [tilespmem:$0x6E0];
	_ =	sdelay $0x4  }
0x144: {  	(xrf1) =	vunique.msk.u32 $0xffff, v1;
	_ =	sdelay $0xd  }
0x145: {  	_, v2, vm0 =	vpop (xrf1);
	_ =	sdelay $0x3  }
0x146: {  	v2 =	vcvt.s32.f32 v2;
	_ =	sdelay $0x1  }
0x147: {  	[tilespmem:v1+s18+$0x0] =	vst.idx.add.f32.msk vm0, v2  }
0x148: {  	v1 =	vld [tilespmem:$0x6F0];
	_ =	sdelay $0x4  }
0x149: {  	(xrf1) =	vunique.msk.u32 $0xffff, v1;
	_ =	sdelay $0xd  }
0x14a: {  	_, v2, vm0 =	vpop (xrf1);
	_ =	sdelay $0x3  }
0x14b: {  	v2 =	vcvt.s32.f32 v2;
	_ =	sdelay $0x1  }
0x14c: {  	[tilespmem:v1+s18+$0x0] =	vst.idx.add.f32.msk vm0, v2  }
0x14d: {  	[spmem:s2] =	stream.indirect.scatter.add.f32 [tilespmem:s17], [sflag:$0x4], $0x80, s0, s14, $0xb8;
	[tilespmem:$0x1EB80] =	vst v63  }
0x14e: {  	_ =	swait.ge [sflag:s23], $0x4000  }
0x14f: {  	[sflag:s23] =	ssyncset.done $0x0  }
0x150: {  	[sflag:s23] =	ssyncadd.s32 $0xFFFFC000  }
0x151: {  	_ =	swait.ge [sflag:s16], $0x4000  }
0x152: {  	[sflag:s16] =	ssyncset.done $0x0  }
0x153: {  	[sflag:s16] =	ssyncadd.s32 $0xFFFFC000  }
0x154: {  	[tilespmem:s17], [sflag:$0x2] =	stream.indirect.gather [hbm4b:s1+s14], $0x80, s3, s14, $0xb8;
	[tilespmem:$0x1EB80] =	vst v63  }
0x155: {  	v1 =	vld [tilespmem:$0x700];
	_ =	sdelay $0x4  }
0x156: {  	(xrf1) =	vunique.msk.u32 $0xffff, v1;
	_ =	sdelay $0xd  }
0x157: {  	_, v2, vm0 =	vpop (xrf1);
	_ =	sdelay $0x3  }
0x158: {  	v2 =	vcvt.s32.f32 v2;
	_ =	sdelay $0x1  }
0x159: {  	[tilespmem:v1+s18+$0x0] =	vst.idx.add.f32.msk vm0, v2  }
0x15a: {  	v1 =	vld [tilespmem:$0x710];
	_ =	sdelay $0x4  }
0x15b: {  	(xrf1) =	vunique.msk.u32 $0xffff, v1;
	_ =	sdelay $0xd  }
0x15c: {  	_, v2, vm0 =	vpop (xrf1);
	_ =	sdelay $0x3  }
0x15d: {  	v2 =	vcvt.s32.f32 v2;
	_ =	sdelay $0x1  }
0x15e: {  	[tilespmem:v1+s18+$0x0] =	vst.idx.add.f32.msk vm0, v2  }
0x15f: {  	v1 =	vld [tilespmem:$0x720];
	_ =	sdelay $0x4  }
0x160: {  	(xrf1) =	vunique.msk.u32 $0xffff, v1;
	_ =	sdelay $0xd  }
0x161: {  	_, v2, vm0 =	vpop (xrf1);
	_ =	sdelay $0x3  }
0x162: {  	v2 =	vcvt.s32.f32 v2;
	_ =	sdelay $0x1  }
0x163: {  	[tilespmem:v1+s18+$0x0] =	vst.idx.add.f32.msk vm0, v2  }
0x164: {  	v1 =	vld [tilespmem:$0x730];
	_ =	sdelay $0x4  }
0x165: {  	(xrf1) =	vunique.msk.u32 $0xffff, v1;
	_ =	sdelay $0xd  }
0x166: {  	_, v2, vm0 =	vpop (xrf1);
	_ =	sdelay $0x3  }
0x167: {  	v2 =	vcvt.s32.f32 v2;
	_ =	sdelay $0x1  }
0x168: {  	[tilespmem:v1+s18+$0x0] =	vst.idx.add.f32.msk vm0, v2  }
0x169: {  	v1 =	vld [tilespmem:$0x740];
	_ =	sdelay $0x4  }
0x16a: {  	(xrf1) =	vunique.msk.u32 $0xffff, v1;
	_ =	sdelay $0xd  }
0x16b: {  	_, v2, vm0 =	vpop (xrf1);
	_ =	sdelay $0x3  }
0x16c: {  	v2 =	vcvt.s32.f32 v2;
	_ =	sdelay $0x1  }
0x16d: {  	[tilespmem:v1+s18+$0x0] =	vst.idx.add.f32.msk vm0, v2  }
0x16e: {  	v1 =	vld [tilespmem:$0x750];
	_ =	sdelay $0x4  }
0x16f: {  	(xrf1) =	vunique.msk.u32 $0xffff, v1;
	_ =	sdelay $0xd  }
0x170: {  	_, v2, vm0 =	vpop (xrf1);
	_ =	sdelay $0x3  }
0x171: {  	v2 =	vcvt.s32.f32 v2;
	_ =	sdelay $0x1  }
0x172: {  	[tilespmem:v1+s18+$0x0] =	vst.idx.add.f32.msk vm0, v2  }
0x173: {  	v1 =	vld [tilespmem:$0x760];
	_ =	sdelay $0x4  }
0x174: {  	(xrf1) =	vunique.msk.u32 $0xffff, v1;
	_ =	sdelay $0xd  }
0x175: {  	_, v2, vm0 =	vpop (xrf1);
	_ =	sdelay $0x3  }
0x176: {  	v2 =	vcvt.s32.f32 v2;
	_ =	sdelay $0x1  }
0x177: {  	[tilespmem:v1+s18+$0x0] =	vst.idx.add.f32.msk vm0, v2  }
0x178: {  	v1 =	vld [tilespmem:$0x770];
	_ =	sdelay $0x4  }
0x179: {  	(xrf1) =	vunique.msk.u32 $0xffff, v1;
	_ =	sdelay $0xd  }
0x17a: {  	_, v2, vm0 =	vpop (xrf1);
	_ =	sdelay $0x3  }
0x17b: {  	v2 =	vcvt.s32.f32 v2;
	_ =	sdelay $0x1  }
0x17c: {  	[tilespmem:v1+s18+$0x0] =	vst.idx.add.f32.msk vm0, v2  }
0x17d: {  	[spmem:s2] =	stream.indirect.scatter.add.f32 [tilespmem:s15], [sflag:$0x3], $0x80, s5, s14, $0xb8;
	[tilespmem:$0x1EB80] =	vst v63  }
0x17e: {  	_ =	swait.ge [sflag:s19], $0x4000  }
0x17f: {  	[sflag:s19] =	ssyncset.done $0x0  }
0x180: {  	[sflag:s19] =	ssyncadd.s32 $0xFFFFC000  }
0x181: {  	_ =	swait.ge [sflag:s20], $0x4000  }
0x182: {  	[sflag:s20] =	ssyncset.done $0x0  }
0x183: {  	[sflag:s20] =	ssyncadd.s32 $0xFFFFC000  }
0x184: {  	v1 =	vld [tilespmem:$0x780];
	_ =	sdelay $0x4  }
0x185: {  	(xrf1) =	vunique.msk.u32 $0xffff, v1;
	_ =	sdelay $0xd  }
0x186: {  	_, v2, vm0 =	vpop (xrf1);
	_ =	sdelay $0x3  }
0x187: {  	v2 =	vcvt.s32.f32 v2;
	_ =	sdelay $0x1  }
0x188: {  	[tilespmem:v1+s18+$0x0] =	vst.idx.add.f32.msk vm0, v2  }
0x189: {  	v1 =	vld [tilespmem:$0x790];
	_ =	sdelay $0x4  }
0x18a: {  	(xrf1) =	vunique.msk.u32 $0xffff, v1;
	_ =	sdelay $0xd  }
0x18b: {  	_, v2, vm0 =	vpop (xrf1);
	_ =	sdelay $0x3  }
0x18c: {  	v2 =	vcvt.s32.f32 v2;
	_ =	sdelay $0x1  }
0x18d: {  	[tilespmem:v1+s18+$0x0] =	vst.idx.add.f32.msk vm0, v2  }
0x18e: {  	v1 =	vld [tilespmem:$0x7A0];
	_ =	sdelay $0x4  }
0x18f: {  	(xrf1) =	vunique.msk.u32 $0xffff, v1;
	_ =	sdelay $0xd  }
0x190: {  	_, v2, vm0 =	vpop (xrf1);
	_ =	sdelay $0x3  }
0x191: {  	v2 =	vcvt.s32.f32 v2;
	_ =	sdelay $0x1  }
0x192: {  	[tilespmem:v1+s18+$0x0] =	vst.idx.add.f32.msk vm0, v2  }
0x193: {  	v1 =	vld [tilespmem:$0x7B0];
	_ =	sdelay $0x4  }
0x194: {  	(xrf1) =	vunique.msk.u32 $0xffff, v1;
	_ =	sdelay $0xd  }
0x195: {  	_, v2, vm0 =	vpop (xrf1);
	_ =	sdelay $0x3  }
0x196: {  	v2 =	vcvt.s32.f32 v2;
	_ =	sdelay $0x1  }
0x197: {  	[tilespmem:v1+s18+$0x0] =	vst.idx.add.f32.msk vm0, v2  }
0x198: {  	v1 =	vld [tilespmem:$0x7C0];
	_ =	sdelay $0x4  }
0x199: {  	(xrf1) =	vunique.msk.u32 $0xffff, v1;
	_ =	sdelay $0xd  }
0x19a: {  	_, v2, vm0 =	vpop (xrf1);
	_ =	sdelay $0x3  }
0x19b: {  	v2 =	vcvt.s32.f32 v2;
	_ =	sdelay $0x1  }
0x19c: {  	[tilespmem:v1+s18+$0x0] =	vst.idx.add.f32.msk vm0, v2  }
0x19d: {  	v1 =	vld [tilespmem:$0x7D0];
	_ =	sdelay $0x4  }
0x19e: {  	(xrf1) =	vunique.msk.u32 $0xffff, v1;
	_ =	sdelay $0xd  }
0x19f: {  	_, v2, vm0 =	vpop (xrf1);
	_ =	sdelay $0x3  }
0x1a0: {  	v2 =	vcvt.s32.f32 v2;
	_ =	sdelay $0x1  }
0x1a1: {  	[tilespmem:v1+s18+$0x0] =	vst.idx.add.f32.msk vm0, v2  }
0x1a2: {  	v1 =	vld [tilespmem:$0x7E0];
	_ =	sdelay $0x4  }
0x1a3: {  	(xrf1) =	vunique.msk.u32 $0xffff, v1;
	_ =	sdelay $0xd  }
0x1a4: {  	_, v2, vm0 =	vpop (xrf1);
	_ =	sdelay $0x3  }
0x1a5: {  	v2 =	vcvt.s32.f32 v2;
	_ =	sdelay $0x1  }
0x1a6: {  	[tilespmem:v1+s18+$0x0] =	vst.idx.add.f32.msk vm0, v2  }
0x1a7: {  	v1 =	vld [tilespmem:$0x7F0];
	_ =	sdelay $0x4  }
0x1a8: {  	(xrf1) =	vunique.msk.u32 $0xffff, v1;
	_ =	sdelay $0xd  }
0x1a9: {  	_, v2, vm0 =	vpop (xrf1);
	_ =	sdelay $0x3  }
0x1aa: {  	v2 =	vcvt.s32.f32 v2  }
0x1ab: {  	p0 =	sne.s32 s9, $0x480  }
.Ltmp1:
0x1ac: {  	[tilespmem:v1+s18+$0x0] =	vst.idx.add.f32.msk vm0, v2;
	(pc) =	sbr.rel @p0 .LBB2_4-.Ltmp1, $4  }
0x1ad: {  	[spmem:s2] =	stream.indirect.scatter.add.f32 [tilespmem:s17], [sflag:$0x4], $0x80, s7, s14, $0xb8;
	[tilespmem:$0x1EB80] =	vst v63  }
0x1ae: {  	_ =	swait.ge [sflag:s23], $0x4000  }
0x1af: {  	[sflag:s23] =	ssyncset.done $0x0  }
0x1b0: {  	s9 =	sadd.s32 $0x80, s9;
	[sflag:s23] =	ssyncadd.s32 $0xFFFFC000  }
0x1b1: {  	[bflag:$0x0] =	sbarrier.arrive $0xFFFF  }
0x1b2: {  	s9 =	rddreg [dreg:$0x9]  }
0x1b3: {  	s6 =	rddreg [dreg:$0x6]  }
0x1b4: {  	s11 =	rddreg [dreg:$0xa]  }
0x1b5: {  	[hbm:s6], [sflag:s9] =	dma.local [spmem:s11], $0x2780  }
0x1b6: {  	_ =	swait.ge [sflag:s12], $0x2780  }
0x1b7: {  	[sflag:s12] =	ssyncset.done $0x0  }
0x1b8: {  	s6 =	rddreg [dreg:$0x7];
	[sflag:s12] =	ssyncadd.s32 $0xFFFFD880  }
0x1b9: {  	[hbm4b:s6+s14] =	stream.strided.scatter [tilespmem:s18], [sflag:$0x5], $0x2780, s13, s14, $0x38;
	[tilespmem:$0x1EB80] =	vst v63  }
0x1ba: {  	_ =	swait.ge [sflag:s12], $0x2780  }
0x1bb: {  	s8 =	sadd.s32 $0x1, s8;
	s6 =	rddreg [dreg:$0x8]  }
0x1bc: {  	p0 =	sne.s32 s8, s6  }
.Ltmp2:
0x1bd: {  	_ = 	snop;
	(pc) =	sbr.rel @p0 .LBB2_1-.Ltmp2, $3  }
0x1be: {  	_ =	sdelay $0x1  }
0x1bf: {  	[sflag:s12] =	ssyncset.done $0x0  }
0x1c0: {  	[sflag:s12] =	ssyncadd.s32 $0xFFFFD880  }
0x1c1: {  	_ =	sfence.sel $0x180000  }
0x1c2: {  	[bflag:$0x0] =	sbarrier.arrive $0xFFFF  }
0x1c3: {  	_ =	strace $0x90000047  }
0x1c4: {  	s0 =	stileid.u32;
	[bflag:$0x2] =	sbarrier.arrive $0xFFFF  }
0x1c5: {  	p0 =	sne.s32 s0, $0x0;
	s0 =	rddreg [dreg:$0x3]  }
0x1c6: {  	s0 =	sadd.s32 @!p0 $0x100000, s0  }
0x1c7: {  	[sflag:s0] =	ssyncadd.tile.s32 @!p0 $0x1;
	_ =	shalt  }
.Lfunc_end2:
_tile_overlayer_lowered:
.L_overlay_start_2:
0x1c8: {  	(tag) =	ssettag $0x2  }
0x1c9: {  	s0 =	rddreg [dreg:$0x0];
	s2 =	stileid.u32  }
0x1ca: {  	s1 =	rddreg [dreg:$0x1];
	p0 =	sne.s32 s2, $0x0  }
0x1cb: {  	s3 =	rddreg [dreg:$0x2];
	[bflag:$0x3] =	sbarrier.arrive $0xFFFF;
	s2 =	simm.s32 @!p0 $0x1C05  }
0x1cc: {  	[timem:s3], [sflag:s2] =	dma.local @!p0 [hbm:s0], s1  }
0x1cd: {  	s0 =	simm.s32 @!p0 $0x5  }
0x1ce: {  	_ =	swait.ge @!p0 [sflag:s0], s1  }
0x1cf: {  	s1 =	ssub.s32 @!p0 $0x0, s1;
	[sflag:s0] =	ssyncset.done @!p0 $0x0  }
0x1d0: {  	[sflag:s0] =	ssyncadd.s32 @!p0 s1  }
0x1d1: {  	[bflag:$0x3] =	sbarrier.arrive $0xFFFF  }
0x1d2: {  	_ =	shalt  }

// kernel: kernel.9.cloned.1.call-start
scs
__scs_entry_jumppad:
0x0: {  	(pc) =	sbr.rel $0x88, $3  }
0x1: {  	(tag) =	ssettag $0x0;
	lr =	simm.s32 $0x1  }
0x2: {  	[smem:$0x3F94] =	sst lr;
	_ =	strace $0xD0000000  }
0x3: {  	_ = 	snop  }
0x4: {  	_ = 	snop  }
0x5: {  	_ = 	snop  }
0x6: {  	_ = 	snop  }
0x7: {  	_ = 	snop  }
__scs_overlays_trampoline_lowered:
0x8: {  	[smem:$0x3FA3] =	sst s0  }
0x9: {  	[smem:$0x3FA4] =	sst s1  }
0xa: {  	[smem:$0x3FA5] =	sst s2  }
0xb: {  	[smem:$0x3FA6] =	sst s3  }
0xc: {  	[smem:$0x3FA7] =	sst s4  }
0xd: {  	[smem:$0x3FA8] =	sst s5  }
0xe: {  	[smem:$0x3FA9] =	sst s6  }
0xf: {  	[smem:$0x3FAA] =	sst s7  }
0x10: {  	[smem:$0x3FAB] =	sst s8  }
0x11: {  	[smem:$0x3FAC] =	sst s9;
	s0 =	simm.s32 @!p0 $0x0  }
0x12: {  	s1 =	sld [smem:$0x3F92];
	s0 =	simm.s32 @p0 $0x1  }
0x13: {  	[smem:$0x3FAD] =	sst s0;
	s0 =	simm.s32 @!p1 $0x0  }
0x14: {  	s2 =	sld [smem:$0x3F91];
	s0 =	simm.s32 @p1 $0x1  }
0x15: {  	[smem:$0x3FAE] =	sst s0;
	s0 =	simm.s32 @!p2 $0x0  }
0x16: {  	s3 =	sld [smem:$0x3FDB];
	s0 =	simm.s32 @p2 $0x1  }
0x17: {  	s4 =	simm.s32 $0x1BF5;
	[smem:$0x3FB0] =	sst s0  }
0x18: {  	s0 =	sld [smem:$0x3F93];
	_ =	swait.ge [sflag:s4], $0x0  }
0x19: {  	s7 =	sld [smem:$0x3F94]  }
0x1a: {  	s8 =	sadd.s32 $0xFFFFE003, lr  }
0x1b: {  	s9 =	sadd.s32 $0xFFFFFEF7, lr;
	s5 =	simm.s32 $0xFFFFFFFF;
	p2 =	slt.u32 s8, $0xFFFFF086  }
0x1c: {  	p1 =	slt.u32 s9, $0xF7A;
	s5 =	simm.s32 @!p2 $0x0  }
0x1d: {  	s5 =	simm.s32 @p1 $0x1;
	p0 =	seq.s32 s7, s2  }
0x1e: {  	s7 =	smul.u32 @!p0 $0xF7A, s2;
	p2 =	seq.s32 @!p0 s5, $0x0  }
0x1f: {  	s9 =	smul.u32 $0xF7A, s1;
	s8 =	simm.s32 @!p0 $0x1BF5;
	p2 =	por !p2, p0  }
0x20: {  	[sflag:s8] =	ssyncset.s32 @!p0 $0xFFFFF086;
	s6 =	sadd.s32 @!p0 s3, s7;
	s7 =	simm.s32 @!p0 $0x108  }
0x21: {  	s3 =	sadd.s32 s3, s9;
	s6 =	sadd.s32 @!p0 $0x88, s6;
	s7 =	simm.s32 @p2 $0x1082  }
0x22: {  	[simem:s7], [sflag:s8] =	dma.local @!p0 [hbm:s6], $0xF7A  }
0x23: {  	s9 =	sor.u32 $0xD0000000, s2;
	s6 =	simm.s32 $0x108;
	_ =	swait.ge @!p0 [sflag:s8], $0x0  }
0x24: {  	s3 =	sadd.s32 $0x88, s3;
	s6 =	simm.s32 @!p1 $0x1082;
	[sflag:s4] =	ssyncset.s32 $0xFFFFF086  }
0x25: {  	[simem:s6], [sflag:s4] =	dma.local [hbm:s3], $0xF7A  }
0x26: {  	[smem:$0x3F94] =	sst s1;
	(tag) =	ssettag s2;
	_ =	strace s9  }
0x27: {  	s1 =	sld [smem:$0x3FA4]  }
0x28: {  	s2 =	sld [smem:$0x3FA5]  }
0x29: {  	s4 =	sld [smem:$0x3FA7]  }
0x2a: {  	p0 =	seq.s32 s5, $0x0;
	s5 =	sld [smem:$0x3FA8]  }
0x2b: {  	s6 =	sld [smem:$0x3FA9]  }
0x2c: {  	s7 =	sld [smem:$0x3FAA]  }
0x2d: {  	s3 =	simm.s32 $0x108;
	s8 =	sld [smem:$0x3FAB]  }
0x2e: {  	s3 =	simm.s32 @!p0 $0x1082;
	s9 =	sld [smem:$0x3FAC]  }
0x2f: {  	lr =	sadd.s32 s0, s3;
	s0 =	sld [smem:$0x3FA3]  }
0x30: {  	s3 =	sld [smem:$0x3FA6]  }
0x31: {  	[smem:$0x3FAF] =	sst s10  }
0x32: {  	s10 =	sld [smem:$0x3FAD];
	_ =	sdelay $0x3  }
0x33: {  	p0 =	seq.s32 s10, $0x1;
	s10 =	sld [smem:$0x3FAF];
	_ =	sdelay $0x3  }
0x34: {  	[smem:$0x3FAF] =	sst s10  }
0x35: {  	s10 =	sld [smem:$0x3FAE];
	_ =	sdelay $0x3  }
0x36: {  	p1 =	seq.s32 s10, $0x1;
	s10 =	sld [smem:$0x3FAF];
	_ =	sdelay $0x3  }
0x37: {  	[smem:$0x3FAF] =	sst s10  }
0x38: {  	s10 =	sld [smem:$0x3FB0]  }
0x39: {  	_ = 	snop;
	(pc) =	sbr.ind lr, $3  }
0x3a: {  	_ = 	snop  }
0x3b: {  	_ = 	snop  }
0x3c: {  	p2 =	seq.s32 s10, $0x1;
	s10 =	sld [smem:$0x3FAF]  }
0x3d: {  	_ =	shalt  }
0x3e: {  	_ =	shalt  }
0x3f: {  	_ =	shalt  }
0x40: {  	_ =	shalt  }
0x41: {  	_ =	shalt  }
0x42: {  	_ =	shalt  }
0x43: {  	_ =	shalt  }
0x44: {  	_ =	shalt  }
0x45: {  	_ =	shalt  }
0x46: {  	_ =	shalt  }
0x47: {  	_ =	shalt  }
0x48: {  	_ =	shalt  }
0x49: {  	_ =	shalt  }
0x4a: {  	_ =	shalt  }
0x4b: {  	_ =	shalt  }
0x4c: {  	_ =	shalt  }
0x4d: {  	_ =	shalt  }
0x4e: {  	_ =	shalt  }
0x4f: {  	_ =	shalt  }
0x50: {  	_ =	shalt  }
0x51: {  	_ =	shalt  }
0x52: {  	_ =	shalt  }
0x53: {  	_ =	shalt  }
0x54: {  	_ =	shalt  }
0x55: {  	_ =	shalt  }
0x56: {  	_ =	shalt  }
0x57: {  	_ =	shalt  }
0x58: {  	_ =	shalt  }
0x59: {  	_ =	shalt  }
0x5a: {  	_ =	shalt  }
0x5b: {  	_ =	shalt  }
0x5c: {  	_ =	shalt  }
0x5d: {  	_ =	shalt  }
0x5e: {  	_ =	shalt  }
0x5f: {  	_ =	shalt  }
0x60: {  	_ =	shalt  }
0x61: {  	_ =	shalt  }
0x62: {  	_ =	shalt  }
0x63: {  	_ =	shalt  }
0x64: {  	_ =	shalt  }
0x65: {  	_ =	shalt  }
0x66: {  	_ =	shalt  }
0x67: {  	_ =	shalt  }
0x68: {  	_ =	shalt  }
0x69: {  	_ =	shalt  }
0x6a: {  	_ =	shalt  }
0x6b: {  	_ =	shalt  }
0x6c: {  	_ =	shalt  }
0x6d: {  	_ =	shalt  }
0x6e: {  	_ =	shalt  }
0x6f: {  	_ =	shalt  }
0x70: {  	_ =	shalt  }
0x71: {  	_ =	shalt  }
0x72: {  	_ =	shalt  }
0x73: {  	_ =	shalt  }
0x74: {  	_ =	shalt  }
0x75: {  	_ =	shalt  }
0x76: {  	_ =	shalt  }
0x77: {  	_ =	shalt  }
0x78: {  	_ =	shalt  }
0x79: {  	_ =	shalt  }
0x7a: {  	_ =	shalt  }
0x7b: {  	_ =	shalt  }
0x7c: {  	_ =	shalt  }
0x7d: {  	_ =	shalt  }
0x7e: {  	_ =	shalt  }
0x7f: {  	_ =	shalt  }
0x80: {  	_ =	shalt  }
0x81: {  	_ =	shalt  }
0x82: {  	_ =	shalt  }
0x83: {  	_ =	shalt  }
0x84: {  	_ =	shalt  }
0x85: {  	_ =	shalt  }
0x86: {  	_ =	shalt  }
0x87: {  	_ =	shalt  }
.Lfunc_end0:
.L_simem_size_0:
called_computation.1_lowered:
.L_overlay_start_0:
0x88: {  	s2 =	sld [smem:$0x3FD9]  }
0x89: {  	s3 =	sld [smem:$0x3FFE];
	_ =	sdelay $0x1  }
0x8a: {  	s1 =	srdreg.scid  }
0x8b: {  	s0 =	sand.u32 $0x1, s1  }
0x8c: {  	s16 =	sshll.u32 s0, $0xA;
	s2 =	sadd.s32 s3, s2  }
0x8d: {  	s2 =	sadd.s32 s2, s16  }
0x8e: {  	[smem:$0x3FBB] =	sst s2  }
0x8f: {  	_ = 	snop  }
0x90: {  	(tm) =	ssettm $0x1  }
0x91: {  	s17 =	sld [smem:$0x3FFB];
	_ =	sdelay $0x3  }
0x92: {  	_ =	strace s17  }
0x93: {  	s2 =	sld [smem:$0x3FFC];
	_ =	sdelay $0x3  }
0x94: {  	_ =	strace s2  }
0x95: {  	s2 =	sld [smem:$0x3FFD];
	_ =	sdelay $0x3  }
0x96: {  	_ =	strace s2  }
0x97: {  	_ =	strace $0x8FFFFFFF  }
0x98: {  	s18 =	sld [smem:$0x3FDB];
	_ =	sdelay $0x1  }
0x99: {  	s19 =	simm.s32 $_scs_section_size  }
0x9a: {  	s4 =	simm.s32 $_size__tile_overlayer_lowered;
	s5 =	simm.s32 $_tile_overlayer_lowered  }
0x9b: {  	s22 =	simm.s32 $0x1BFF;
	s21 =	sshll.u32 s5, $0x1;
	s2 =	sadd.s32 s19, s18  }
0x9c: {  	s6 =	simm.s32 $0x0;
	s20 =	sshll.u32 s4, $0x1;
	s4 =	sadd.s32 s21, s2  }
0x9d: {  	[timem:s6], [sflag:s22] =	dma.local [hbm:s4], s20  }
0x9e: {  	_ =	swait.ge [sflag:s22], s20  }
0x9f: {  	s3 =	ssub.s32 $0x0, s20;
	[sflag:s22] =	ssyncset.done $0x0  }
0xa0: {  	[sflag:s22] =	ssyncadd.s32 s3;
	_ =	sdelay $0x1  }
0xa1: {  	s23 =	simm.s32 $0x1B8B  }
0xa2: {  	_ =	swait.ge [sflag:s23], $0x1  }
0xa3: {  	[sflag:s23] =	ssyncset.done $0x0  }
0xa4: {  	s25 =	simm.s32 $0x1B8E;
	s24 =	sld [smem:$0x3FFE];
	[sflag:s23] =	ssyncadd.s32 $0xFFFFFFFF  }
0xa5: {  	s26 =	simm.s32 $execute0_lowered;
	[smem:$0x3FD2] =	sst s25  }
0xa6: {  	s4 =	sshll.u32 s26, $0x1;
	_ =	strace $0x80000049;
	[dreg:$0x1] =	wrdreg $0xFFFFFFFF  }
0xa7: {  	s28 =	simm.s32 $_size_execute0_lowered;
	s2 =	sadd.s32 s2, s4;
	[dreg:$0x0] =	wrdreg $0x0  }
0xa8: {  	s4 =	sshll.u32 s28, $0x1;
	[dreg:$0x2] =	wrdreg s2  }
0xa9: {  	[dreg:$0x3] =	wrdreg s4  }
0xaa: {  	[dreg:$0x4] =	wrdreg $0xC0  }
0xab: {  	_ =	task [dreg:s6], $0x5FFFF  }
0xac: {  	[dreg:$0x1] =	wrdreg $0xFFFFFFFF  }
0xad: {  	[dreg:$0x0] =	wrdreg $0x60  }
0xae: {  	[dreg:$0x2] =	wrdreg s24  }
0xaf: {  	[dreg:$0x3] =	wrdreg $0x88000  }
0xb0: {  	[dreg:$0x4] =	wrdreg $0x9  }
0xb1: {  	_ =	task.clear_ibuf [dreg:s6], $0x5FFFF;
	_ =	strace $0x90000049  }
0xb2: {  	s29 =	simm.s32 $0x9;
	_ =	strace $0x8000004B  }
0xb3: {  	_ =	swait.ge [sflag:s29], $0x1  }
0xb4: {  	[sflag:s29] =	ssyncadd.s32 $0xFFFFFFFF  }
0xb5: {  	_ =	strace $0x9000004B  }
0xb6: {  	_ =	sfence  }
0xb7: {  	s30 =	sld [smem:$0x0];
	_ =	sdelay $0x2  }
0xb8: {  	s31 =	sshll.u32 s1, $0xD;
	s1 =	sshrl.u32 s1, $0x2  }
0xb9: {  	s3 =	sand.u32 $0x4000, s31;
	s1 =	sadd.s32 s1, s30  }
0xba: {  	s0 =	sor.u32 s3, s0;
	s1 =	sshll.u32 s1, $0x11  }
0xbb: {  	s0 =	sor.u32 s1, s0  }
0xbc: {  	s0 =	sadd.s32 $0x8F2B, s0  }
0xbd: {  	[sflag:s0] =	ssyncadd.remote.s32 $0x1  }
0xbe: {  	_ =	sfence.sel $0xFFFF  }
0xbf: {  	[dreg:$0x0] =	wrdreg $0xFFFFFFFF;
	(pc) =	sbr.abs _section_cstart, $3  }
0xc0: {  	[dreg:$0x1] =	wrdreg $0xFFFFFFFF  }
0xc1: {  	_ =	task.clear_ibuf [dreg:s6], $0x2FFFF;
	_ =	strace $0x9FFFFFFF  }
0xc2: {  	(tm) =	ssettm $0x7FFFFFFF  }
0xc3: {  	_ =	shalt  }
tec
execute0_lowered:
.L_overlay_start_1:
0x0: {  	(tag) =	ssettag $0x1  }
0x1: {  	s0 =	rddreg [dreg:$0x0]  }
0x2: {  	s1 =	srdreg.scid;
	s2 =	rddreg [dreg:$0x1]  }
0x3: {  	s11 =	stileid.u32;
	s3 =	simm.s32 $0x0;
	s12 =	simm.s32 $0x400  }
0x4: {  	s13 =	simm.s32 $0x80;
	s14 =	simm.s32 $0x800;
	s15 =	simm.s32 $0x1  }
0x5: {  	s16 =	simm.s32 $0x4800;
	s17 =	simm.s32 $0x3;
	s18 =	simm.s32 $0x2  }
0x6: {  	s19 =	simm.s32 $0x100;
	s20 =	simm.s32 $0x480;
	s21 =	simm.s32 $0x4  }
0x7: {  	s28 =	simm.s32 $0x600;
	s29 =	simm.s32 $0x300;
	s6 =	smul.u32 $0x13C00, s11  }
0x8: {  	s30 =	simm.s32 $0x680;
	s31 =	simm.s32 $0x380;
	s22 =	smul.u32 $0x4F000, s11  }
0x9: {  	s1 =	sand.u32 $0x1, s1;
	[smem:$0x7FF] =	sst s3;
	s10 =	smul.u32 $0x500, s11  }
0xa: {  	s4 =	sadd.s32 $0x3E600, s0;
	s25 =	sshll.u32 s11, $0x6;
	s5 =	smul.u32 $0x5000, s1  }
0xb: {  	s11 =	simm.s32 $0x5;
	s7 =	smul.u32 $0x13C000, s1;
	s1 =	ssub.s32 $0x2, s1  }
0xc: {  	_ =	strace $0x8000004A;
	s8 =	sshrl.u32 s6, $0x3;
	s9 =	sshrl.u32 s1, $0x1  }
0xd: {  	s5 =	sadd.s32 s5, s0;
	s6 =	sadd.s32 s6, s7;
	s8 =	sadd.s32 s8, s0  }
0xe: {  	s7 =	sshrl.u32 s22, $0x2;
	s1 =	ssub.s32 s1, s9;
	s22 =	simm.s32 $0x180  }
0xf: {  	s6 =	sshrl.u32 s6, $0x3;
	s23 =	sadd.s32 s7, s2;
	s24 =	sadd.s32 $0x16E00, s8  }
0x10: {  	s5 =	sadd.s32 s10, s5;
	s7 =	sor.u32 $0x1C05, s25;
	s1 =	smax.u32 s1, $0x1  }
0x11: {  	s25 =	simm.s32 $0x580;
	s8 =	simm.s32 $0x0;
	[dreg:$0x4] =	wrdreg s24  }
0x12: {  	s0 =	sadd.s32 s6, s0;
	s26 =	sadd.s32 $0xCE00, s5;
	[dreg:$0x7] =	wrdreg s1  }
0x13: {  	s9 =	sadd.s32 $0x2E00, s5;
	s6 =	sshrl.u32 s23, $0x3;
	[dreg:$0x5] =	wrdreg s7  }
0x14: {  	s23 =	simm.s32 $0x500;
	s24 =	simm.s32 $0x200;
	[dreg:$0x3] =	wrdreg s26  }
0x15: {  	s1 =	simm.s32 $0x780;
	s0 =	sadd.s32 $0x65800, s0;
	[dreg:$0x8] =	wrdreg s6  }
0x16: {  	s26 =	simm.s32 $0x280;
	[dreg:$0x6] =	wrdreg s0;
	s0 =	simm.s32 $0x700  }
.LBB2_1:
0x17: {  	[dreg:$0x9] =	wrdreg s8  }
0x18: {  	s5 =	rddreg [dreg:$0x4]  }
0x19: {  	[spmem:s6], [sflag:s7] =	dma.local [hbm:s5], $0x2780  }
0x1a: {  	_ =	swait.ge [sflag:s11], $0x2780  }
0x1b: {  	[sflag:s11] =	ssyncset.done $0x0  }
0x1c: {  	[sflag:s11] =	ssyncadd.s32 $0xFFFFD880  }
0x1d: {  	s8 =	sadd.s32 $0x0, s9;
	[bflag:$0x0] =	sbarrier.arrive $0xFFFF  }
0x1e: {  	[tilespmem:s3], [sflag:$0x5] =	stream.linear.gather [hbm4b:s8+s3], $0x400, $0x38;
	[tilespmem:$0x1C400] =	vst v63  }
0x1f: {  	_ =	swait.ge [sflag:s11], $0x400  }
0x20: {  	s10 =	rddreg [dreg:$0x3];
	[sflag:s11] =	ssyncset.done $0x0  }
0x21: {  	[sflag:s11] =	ssyncadd.s32 $0xFFFFFC00;
	s6 =	sadd.s32 $0x0, s10  }
0x22: {  	[tilespmem:s12], [sflag:$0x5] =	stream.linear.gather [hbm4b:s6+s3], $0x400, $0x38;
	[tilespmem:$0x1C400] =	vst v63  }
0x23: {  	_ =	swait.ge [sflag:s11], $0x400  }
0x24: {  	[sflag:s11] =	ssyncset.done $0x0  }
0x25: {  	[sflag:s11] =	ssyncadd.s32 $0xFFFFFC00  }
0x26: {  	[tilespmem:s14], [sflag:$0x1] =	stream.indirect.gather [hbm4b:s4+s13], $0x80, s3, s13, $0xb8;
	[tilespmem:$0x1C400] =	vst v63  }
0x27: {  	_ =	swait.ge [sflag:s15], $0x4000  }
0x28: {  	[sflag:s15] =	ssyncset.done $0x0  }
0x29: {  	[sflag:s15] =	ssyncadd.s32 $0xFFFFC000  }
0x2a: {  	[tilespmem:s16], [sflag:$0x2] =	stream.indirect.gather [hbm4b:s4+s13], $0x80, s13, s13, $0xb8;
	[tilespmem:$0x1C400] =	vst v63  }
0x2b: {  	_ = 	snop  }
0x2c: {  	[spmem:s2] =	stream.indirect.scatter.add.f32 [tilespmem:s14], [sflag:$0x3], $0x80, s12, s13, $0xb8;
	[tilespmem:$0x1C400] =	vst v63  }
0x2d: {  	_ =	swait.ge [sflag:s17], $0x4000  }
0x2e: {  	[sflag:s17] =	ssyncset.done $0x0  }
0x2f: {  	[sflag:s17] =	ssyncadd.s32 $0xFFFFC000  }
0x30: {  	_ =	swait.ge [sflag:s18], $0x4000  }
0x31: {  	[sflag:s18] =	ssyncset.done $0x0  }
0x32: {  	[sflag:s18] =	ssyncadd.s32 $0xFFFFC000  }
0x33: {  	[tilespmem:s14], [sflag:$0x1] =	stream.indirect.gather [hbm4b:s4+s13], $0x80, s19, s13, $0xb8;
	[tilespmem:$0x1C400] =	vst v63  }
0x34: {  	_ = 	snop  }
0x35: {  	[spmem:s2] =	stream.indirect.scatter.add.f32 [tilespmem:s16], [sflag:$0x4], $0x80, s20, s13, $0xb8;
	[tilespmem:$0x1C400] =	vst v63  }
0x36: {  	_ =	swait.ge [sflag:s21], $0x4000  }
0x37: {  	[sflag:s21] =	ssyncset.done $0x0  }
0x38: {  	[sflag:s21] =	ssyncadd.s32 $0xFFFFC000  }
0x39: {  	_ =	swait.ge [sflag:s15], $0x4000  }
0x3a: {  	[sflag:s15] =	ssyncset.done $0x0  }
0x3b: {  	[sflag:s15] =	ssyncadd.s32 $0xFFFFC000  }
0x3c: {  	[tilespmem:s16], [sflag:$0x2] =	stream.indirect.gather [hbm4b:s4+s13], $0x80, s22, s13, $0xb8;
	[tilespmem:$0x1C400] =	vst v63  }
0x3d: {  	_ = 	snop  }
0x3e: {  	[spmem:s2] =	stream.indirect.scatter.add.f32 [tilespmem:s14], [sflag:$0x3], $0x80, s23, s13, $0xb8;
	[tilespmem:$0x1C400] =	vst v63  }
0x3f: {  	_ =	swait.ge [sflag:s17], $0x4000  }
0x40: {  	[sflag:s17] =	ssyncset.done $0x0  }
0x41: {  	[sflag:s17] =	ssyncadd.s32 $0xFFFFC000  }
0x42: {  	_ =	swait.ge [sflag:s18], $0x4000  }
0x43: {  	[sflag:s18] =	ssyncset.done $0x0  }
0x44: {  	[sflag:s18] =	ssyncadd.s32 $0xFFFFC000  }
0x45: {  	[tilespmem:s14], [sflag:$0x1] =	stream.indirect.gather [hbm4b:s4+s13], $0x80, s24, s13, $0xb8;
	[tilespmem:$0x1C400] =	vst v63  }
0x46: {  	_ = 	snop  }
0x47: {  	[spmem:s2] =	stream.indirect.scatter.add.f32 [tilespmem:s16], [sflag:$0x4], $0x80, s25, s13, $0xb8;
	[tilespmem:$0x1C400] =	vst v63  }
0x48: {  	_ =	swait.ge [sflag:s21], $0x4000  }
0x49: {  	[sflag:s21] =	ssyncset.done $0x0  }
0x4a: {  	[sflag:s21] =	ssyncadd.s32 $0xFFFFC000  }
0x4b: {  	_ =	swait.ge [sflag:s15], $0x4000  }
0x4c: {  	[sflag:s15] =	ssyncset.done $0x0  }
0x4d: {  	[sflag:s15] =	ssyncadd.s32 $0xFFFFC000  }
0x4e: {  	[tilespmem:s16], [sflag:$0x2] =	stream.indirect.gather [hbm4b:s4+s13], $0x80, s26, s13, $0xb8;
	[tilespmem:$0x1C400] =	vst v63  }
0x4f: {  	_ = 	snop  }
0x50: {  	[spmem:s2] =	stream.indirect.scatter.add.f32 [tilespmem:s14], [sflag:$0x3], $0x80, s28, s13, $0xb8;
	[tilespmem:$0x1C400] =	vst v63  }
0x51: {  	_ =	swait.ge [sflag:s17], $0x4000  }
0x52: {  	[sflag:s17] =	ssyncset.done $0x0  }
0x53: {  	[sflag:s17] =	ssyncadd.s32 $0xFFFFC000  }
0x54: {  	_ =	swait.ge [sflag:s18], $0x4000  }
0x55: {  	[sflag:s18] =	ssyncset.done $0x0  }
0x56: {  	[sflag:s18] =	ssyncadd.s32 $0xFFFFC000  }
0x57: {  	[tilespmem:s14], [sflag:$0x1] =	stream.indirect.gather [hbm4b:s4+s13], $0x80, s29, s13, $0xb8;
	[tilespmem:$0x1C400] =	vst v63  }
0x58: {  	_ = 	snop  }
0x59: {  	[spmem:s2] =	stream.indirect.scatter.add.f32 [tilespmem:s16], [sflag:$0x4], $0x80, s30, s13, $0xb8;
	[tilespmem:$0x1C400] =	vst v63  }
0x5a: {  	_ =	swait.ge [sflag:s21], $0x4000  }
0x5b: {  	[sflag:s21] =	ssyncset.done $0x0  }
0x5c: {  	[sflag:s21] =	ssyncadd.s32 $0xFFFFC000  }
0x5d: {  	_ =	swait.ge [sflag:s15], $0x4000  }
0x5e: {  	[sflag:s15] =	ssyncset.done $0x0  }
0x5f: {  	[sflag:s15] =	ssyncadd.s32 $0xFFFFC000  }
0x60: {  	[tilespmem:s16], [sflag:$0x2] =	stream.indirect.gather [hbm4b:s4+s13], $0x80, s31, s13, $0xb8;
	[tilespmem:$0x1C400] =	vst v63  }
0x61: {  	_ = 	snop  }
0x62: {  	[spmem:s2] =	stream.indirect.scatter.add.f32 [tilespmem:s14], [sflag:$0x3], $0x80, s0, s13, $0xb8;
	[tilespmem:$0x1C400] =	vst v63  }
0x63: {  	_ =	swait.ge [sflag:s17], $0x4000  }
0x64: {  	[sflag:s17] =	ssyncset.done $0x0  }
0x65: {  	[sflag:s17] =	ssyncadd.s32 $0xFFFFC000  }
0x66: {  	_ =	swait.ge [sflag:s18], $0x4000  }
0x67: {  	[sflag:s18] =	ssyncset.done $0x0  }
0x68: {  	[sflag:s18] =	ssyncadd.s32 $0xFFFFC000  }
0x69: {  	[spmem:s2] =	stream.indirect.scatter.add.f32 [tilespmem:s16], [sflag:$0x4], $0x80, s1, s13, $0xb8;
	[tilespmem:$0x1C400] =	vst v63  }
0x6a: {  	_ =	swait.ge [sflag:s21], $0x4000  }
0x6b: {  	s7 =	simm.s32 $0x80;
	s8 =	simm.s32 $0x100;
	[sflag:s21] =	ssyncset.done $0x0  }
.LBB2_2:
0x6c: {  	s10 =	sadd.s32 s7, s9;
	[sflag:s21] =	ssyncadd.s32 $0xFFFFC000  }
0x6d: {  	[tilespmem:s3], [sflag:$0x5] =	stream.linear.gather [hbm4b:s10+s3], $0x400, $0x38;
	[tilespmem:$0x1C400] =	vst v63  }
0x6e: {  	s5 =	smov.u32 s8;
	_ =	swait.ge [sflag:s11], $0x400  }
0x6f: {  	s6 =	sadd.s32 $0x80, s8;
	s10 =	rddreg [dreg:$0x3];
	[sflag:s11] =	ssyncset.done $0x0  }
0x70: {  	p0 =	sne.s32 s8, $0x480;
	[sflag:s11] =	ssyncadd.s32 $0xFFFFFC00;
	s8 =	sadd.s32 s7, s10  }
0x71: {  	[tilespmem:s12], [sflag:$0x5] =	stream.linear.gather [hbm4b:s8+s3], $0x400, $0x38;
	[tilespmem:$0x1C400] =	vst v63  }
0x72: {  	_ =	swait.ge [sflag:s11], $0x400  }
0x73: {  	[sflag:s11] =	ssyncset.done $0x0  }
0x74: {  	[sflag:s11] =	ssyncadd.s32 $0xFFFFFC00  }
0x75: {  	[tilespmem:s14], [sflag:$0x1] =	stream.indirect.gather [hbm4b:s4+s13], $0x80, s3, s13, $0xb8;
	[tilespmem:$0x1C400] =	vst v63  }
0x76: {  	_ =	swait.ge [sflag:s15], $0x4000  }
0x77: {  	[sflag:s15] =	ssyncset.done $0x0  }
0x78: {  	[sflag:s15] =	ssyncadd.s32 $0xFFFFC000  }
0x79: {  	[tilespmem:s16], [sflag:$0x2] =	stream.indirect.gather [hbm4b:s4+s13], $0x80, s13, s13, $0xb8;
	[tilespmem:$0x1C400] =	vst v63  }
0x7a: {  	_ = 	snop  }
0x7b: {  	[spmem:s2] =	stream.indirect.scatter.add.f32 [tilespmem:s14], [sflag:$0x3], $0x80, s12, s13, $0xb8;
	[tilespmem:$0x1C400] =	vst v63  }
0x7c: {  	_ =	swait.ge [sflag:s17], $0x4000  }
0x7d: {  	[sflag:s17] =	ssyncset.done $0x0  }
0x7e: {  	[sflag:s17] =	ssyncadd.s32 $0xFFFFC000  }
0x7f: {  	_ =	swait.ge [sflag:s18], $0x4000  }
0x80: {  	[sflag:s18] =	ssyncset.done $0x0  }
0x81: {  	[sflag:s18] =	ssyncadd.s32 $0xFFFFC000  }
0x82: {  	[tilespmem:s14], [sflag:$0x1] =	stream.indirect.gather [hbm4b:s4+s13], $0x80, s19, s13, $0xb8;
	[tilespmem:$0x1C400] =	vst v63  }
0x83: {  	_ = 	snop  }
0x84: {  	[spmem:s2] =	stream.indirect.scatter.add.f32 [tilespmem:s16], [sflag:$0x4], $0x80, s20, s13, $0xb8;
	[tilespmem:$0x1C400] =	vst v63  }
0x85: {  	_ =	swait.ge [sflag:s21], $0x4000  }
0x86: {  	[sflag:s21] =	ssyncset.done $0x0  }
0x87: {  	[sflag:s21] =	ssyncadd.s32 $0xFFFFC000  }
0x88: {  	_ =	swait.ge [sflag:s15], $0x4000  }
0x89: {  	[sflag:s15] =	ssyncset.done $0x0  }
0x8a: {  	[sflag:s15] =	ssyncadd.s32 $0xFFFFC000  }
0x8b: {  	[tilespmem:s16], [sflag:$0x2] =	stream.indirect.gather [hbm4b:s4+s13], $0x80, s22, s13, $0xb8;
	[tilespmem:$0x1C400] =	vst v63  }
0x8c: {  	_ = 	snop  }
0x8d: {  	[spmem:s2] =	stream.indirect.scatter.add.f32 [tilespmem:s14], [sflag:$0x3], $0x80, s23, s13, $0xb8;
	[tilespmem:$0x1C400] =	vst v63  }
0x8e: {  	_ =	swait.ge [sflag:s17], $0x4000  }
0x8f: {  	[sflag:s17] =	ssyncset.done $0x0  }
0x90: {  	[sflag:s17] =	ssyncadd.s32 $0xFFFFC000  }
0x91: {  	_ =	swait.ge [sflag:s18], $0x4000  }
0x92: {  	[sflag:s18] =	ssyncset.done $0x0  }
0x93: {  	[sflag:s18] =	ssyncadd.s32 $0xFFFFC000  }
0x94: {  	[tilespmem:s14], [sflag:$0x1] =	stream.indirect.gather [hbm4b:s4+s13], $0x80, s24, s13, $0xb8;
	[tilespmem:$0x1C400] =	vst v63  }
0x95: {  	_ = 	snop  }
0x96: {  	[spmem:s2] =	stream.indirect.scatter.add.f32 [tilespmem:s16], [sflag:$0x4], $0x80, s25, s13, $0xb8;
	[tilespmem:$0x1C400] =	vst v63  }
0x97: {  	_ =	swait.ge [sflag:s21], $0x4000  }
0x98: {  	[sflag:s21] =	ssyncset.done $0x0  }
0x99: {  	[sflag:s21] =	ssyncadd.s32 $0xFFFFC000  }
0x9a: {  	_ =	swait.ge [sflag:s15], $0x4000  }
0x9b: {  	[sflag:s15] =	ssyncset.done $0x0  }
0x9c: {  	[sflag:s15] =	ssyncadd.s32 $0xFFFFC000  }
0x9d: {  	[tilespmem:s16], [sflag:$0x2] =	stream.indirect.gather [hbm4b:s4+s13], $0x80, s26, s13, $0xb8;
	[tilespmem:$0x1C400] =	vst v63  }
0x9e: {  	_ = 	snop  }
0x9f: {  	[spmem:s2] =	stream.indirect.scatter.add.f32 [tilespmem:s14], [sflag:$0x3], $0x80, s28, s13, $0xb8;
	[tilespmem:$0x1C400] =	vst v63  }
0xa0: {  	_ =	swait.ge [sflag:s17], $0x4000  }
0xa1: {  	[sflag:s17] =	ssyncset.done $0x0  }
0xa2: {  	[sflag:s17] =	ssyncadd.s32 $0xFFFFC000  }
0xa3: {  	_ =	swait.ge [sflag:s18], $0x4000  }
0xa4: {  	[sflag:s18] =	ssyncset.done $0x0  }
0xa5: {  	[sflag:s18] =	ssyncadd.s32 $0xFFFFC000  }
0xa6: {  	[tilespmem:s14], [sflag:$0x1] =	stream.indirect.gather [hbm4b:s4+s13], $0x80, s29, s13, $0xb8;
	[tilespmem:$0x1C400] =	vst v63  }
0xa7: {  	_ = 	snop  }
0xa8: {  	[spmem:s2] =	stream.indirect.scatter.add.f32 [tilespmem:s16], [sflag:$0x4], $0x80, s30, s13, $0xb8;
	[tilespmem:$0x1C400] =	vst v63  }
0xa9: {  	_ =	swait.ge [sflag:s21], $0x4000  }
0xaa: {  	[sflag:s21] =	ssyncset.done $0x0  }
0xab: {  	[sflag:s21] =	ssyncadd.s32 $0xFFFFC000  }
0xac: {  	_ =	swait.ge [sflag:s15], $0x4000  }
0xad: {  	[sflag:s15] =	ssyncset.done $0x0  }
0xae: {  	[sflag:s15] =	ssyncadd.s32 $0xFFFFC000  }
0xaf: {  	[tilespmem:s16], [sflag:$0x2] =	stream.indirect.gather [hbm4b:s4+s13], $0x80, s31, s13, $0xb8;
	[tilespmem:$0x1C400] =	vst v63  }
0xb0: {  	_ = 	snop  }
0xb1: {  	[spmem:s2] =	stream.indirect.scatter.add.f32 [tilespmem:s14], [sflag:$0x3], $0x80, s0, s13, $0xb8;
	[tilespmem:$0x1C400] =	vst v63  }
0xb2: {  	_ =	swait.ge [sflag:s17], $0x4000  }
0xb3: {  	[sflag:s17] =	ssyncset.done $0x0  }
0xb4: {  	[sflag:s17] =	ssyncadd.s32 $0xFFFFC000  }
0xb5: {  	_ =	swait.ge [sflag:s18], $0x4000  }
.Ltmp0:
0xb6: {  	[sflag:s18] =	ssyncset.done $0x0;
	(pc) =	sbr.rel @p0 .LBB2_2-.Ltmp0, $4  }
0xb7: {  	[sflag:s18] =	ssyncadd.s32 $0xFFFFC000  }
0xb8: {  	[spmem:s2] =	stream.indirect.scatter.add.f32 [tilespmem:s16], [sflag:$0x4], $0x80, s1, s13, $0xb8;
	[tilespmem:$0x1C400] =	vst v63  }
0xb9: {  	_ =	swait.ge [sflag:s21], $0x4000  }
0xba: {  	s7 =	smov.u32 s5;
	s8 =	smov.u32 s6;
	[sflag:s21] =	ssyncset.done $0x0  }
0xbb: {  	s5 =	sadd.s32 s7, s9;
	[sflag:s21] =	ssyncadd.s32 $0xFFFFC000  }
0xbc: {  	[tilespmem:s3], [sflag:$0x5] =	stream.linear.gather [hbm4b:s5+s3], $0x400, $0x38;
	[tilespmem:$0x1C400] =	vst v63  }
0xbd: {  	_ =	swait.ge [sflag:s11], $0x400  }
0xbe: {  	s6 =	rddreg [dreg:$0x3];
	[sflag:s11] =	ssyncset.done $0x0  }
0xbf: {  	s5 =	sadd.s32 s7, s6;
	[sflag:s11] =	ssyncadd.s32 $0xFFFFFC00  }
0xc0: {  	[tilespmem:s12], [sflag:$0x5] =	stream.linear.gather [hbm4b:s5+s3], $0x400, $0x38;
	[tilespmem:$0x1C400] =	vst v63  }
0xc1: {  	_ =	swait.ge [sflag:s11], $0x400  }
0xc2: {  	[sflag:s11] =	ssyncset.done $0x0  }
0xc3: {  	[sflag:s11] =	ssyncadd.s32 $0xFFFFFC00  }
0xc4: {  	[tilespmem:s14], [sflag:$0x1] =	stream.indirect.gather [hbm4b:s4+s13], $0x80, s3, s13, $0xb8;
	[tilespmem:$0x1C400] =	vst v63  }
0xc5: {  	_ =	swait.ge [sflag:s15], $0x4000  }
0xc6: {  	[sflag:s15] =	ssyncset.done $0x0  }
0xc7: {  	[sflag:s15] =	ssyncadd.s32 $0xFFFFC000  }
0xc8: {  	[tilespmem:s16], [sflag:$0x2] =	stream.indirect.gather [hbm4b:s4+s13], $0x80, s13, s13, $0xb8;
	[tilespmem:$0x1C400] =	vst v63  }
0xc9: {  	_ = 	snop  }
0xca: {  	[spmem:s2] =	stream.indirect.scatter.add.f32 [tilespmem:s14], [sflag:$0x3], $0x80, s12, s13, $0xb8;
	[tilespmem:$0x1C400] =	vst v63  }
0xcb: {  	_ =	swait.ge [sflag:s17], $0x4000  }
0xcc: {  	[sflag:s17] =	ssyncset.done $0x0  }
0xcd: {  	[sflag:s17] =	ssyncadd.s32 $0xFFFFC000  }
0xce: {  	_ =	swait.ge [sflag:s18], $0x4000  }
0xcf: {  	[sflag:s18] =	ssyncset.done $0x0  }
0xd0: {  	[sflag:s18] =	ssyncadd.s32 $0xFFFFC000  }
0xd1: {  	[tilespmem:s14], [sflag:$0x1] =	stream.indirect.gather [hbm4b:s4+s13], $0x80, s19, s13, $0xb8;
	[tilespmem:$0x1C400] =	vst v63  }
0xd2: {  	_ = 	snop  }
0xd3: {  	[spmem:s2] =	stream.indirect.scatter.add.f32 [tilespmem:s16], [sflag:$0x4], $0x80, s20, s13, $0xb8;
	[tilespmem:$0x1C400] =	vst v63  }
0xd4: {  	_ =	swait.ge [sflag:s21], $0x4000  }
0xd5: {  	[sflag:s21] =	ssyncset.done $0x0  }
0xd6: {  	[sflag:s21] =	ssyncadd.s32 $0xFFFFC000  }
0xd7: {  	_ =	swait.ge [sflag:s15], $0x4000  }
0xd8: {  	[sflag:s15] =	ssyncset.done $0x0  }
0xd9: {  	[sflag:s15] =	ssyncadd.s32 $0xFFFFC000  }
0xda: {  	[tilespmem:s16], [sflag:$0x2] =	stream.indirect.gather [hbm4b:s4+s13], $0x80, s22, s13, $0xb8;
	[tilespmem:$0x1C400] =	vst v63  }
0xdb: {  	_ = 	snop  }
0xdc: {  	[spmem:s2] =	stream.indirect.scatter.add.f32 [tilespmem:s14], [sflag:$0x3], $0x80, s23, s13, $0xb8;
	[tilespmem:$0x1C400] =	vst v63  }
0xdd: {  	_ =	swait.ge [sflag:s17], $0x4000  }
0xde: {  	[sflag:s17] =	ssyncset.done $0x0  }
0xdf: {  	[sflag:s17] =	ssyncadd.s32 $0xFFFFC000  }
0xe0: {  	_ =	swait.ge [sflag:s18], $0x4000  }
0xe1: {  	[sflag:s18] =	ssyncset.done $0x0  }
0xe2: {  	[sflag:s18] =	ssyncadd.s32 $0xFFFFC000  }
0xe3: {  	[tilespmem:s14], [sflag:$0x1] =	stream.indirect.gather [hbm4b:s4+s13], $0x80, s24, s13, $0xb8;
	[tilespmem:$0x1C400] =	vst v63  }
0xe4: {  	_ = 	snop  }
0xe5: {  	[spmem:s2] =	stream.indirect.scatter.add.f32 [tilespmem:s16], [sflag:$0x4], $0x80, s25, s13, $0xb8;
	[tilespmem:$0x1C400] =	vst v63  }
0xe6: {  	_ =	swait.ge [sflag:s21], $0x4000  }
0xe7: {  	[sflag:s21] =	ssyncset.done $0x0  }
0xe8: {  	[sflag:s21] =	ssyncadd.s32 $0xFFFFC000  }
0xe9: {  	_ =	swait.ge [sflag:s15], $0x4000  }
0xea: {  	[sflag:s15] =	ssyncset.done $0x0  }
0xeb: {  	[sflag:s15] =	ssyncadd.s32 $0xFFFFC000  }
0xec: {  	[tilespmem:s16], [sflag:$0x2] =	stream.indirect.gather [hbm4b:s4+s13], $0x80, s26, s13, $0xb8;
	[tilespmem:$0x1C400] =	vst v63  }
0xed: {  	_ = 	snop  }
0xee: {  	[spmem:s2] =	stream.indirect.scatter.add.f32 [tilespmem:s14], [sflag:$0x3], $0x80, s28, s13, $0xb8;
	[tilespmem:$0x1C400] =	vst v63  }
0xef: {  	_ =	swait.ge [sflag:s17], $0x4000  }
0xf0: {  	[sflag:s17] =	ssyncset.done $0x0  }
0xf1: {  	[sflag:s17] =	ssyncadd.s32 $0xFFFFC000  }
0xf2: {  	_ =	swait.ge [sflag:s18], $0x4000  }
0xf3: {  	[sflag:s18] =	ssyncset.done $0x0  }
0xf4: {  	[sflag:s18] =	ssyncadd.s32 $0xFFFFC000  }
0xf5: {  	[tilespmem:s14], [sflag:$0x1] =	stream.indirect.gather [hbm4b:s4+s13], $0x80, s29, s13, $0xb8;
	[tilespmem:$0x1C400] =	vst v63  }
0xf6: {  	_ = 	snop  }
0xf7: {  	[spmem:s2] =	stream.indirect.scatter.add.f32 [tilespmem:s16], [sflag:$0x4], $0x80, s30, s13, $0xb8;
	[tilespmem:$0x1C400] =	vst v63  }
0xf8: {  	_ =	swait.ge [sflag:s21], $0x4000  }
0xf9: {  	[sflag:s21] =	ssyncset.done $0x0  }
0xfa: {  	[sflag:s21] =	ssyncadd.s32 $0xFFFFC000  }
0xfb: {  	_ =	swait.ge [sflag:s15], $0x4000  }
0xfc: {  	[sflag:s15] =	ssyncset.done $0x0  }
0xfd: {  	[sflag:s15] =	ssyncadd.s32 $0xFFFFC000  }
0xfe: {  	[tilespmem:s16], [sflag:$0x2] =	stream.indirect.gather [hbm4b:s4+s13], $0x80, s31, s13, $0xb8;
	[tilespmem:$0x1C400] =	vst v63  }
0xff: {  	_ = 	snop  }
0x100: {  	[spmem:s2] =	stream.indirect.scatter.add.f32 [tilespmem:s14], [sflag:$0x3], $0x80, s0, s13, $0xb8;
	[tilespmem:$0x1C400] =	vst v63  }
0x101: {  	_ =	swait.ge [sflag:s17], $0x4000  }
0x102: {  	[sflag:s17] =	ssyncset.done $0x0  }
0x103: {  	[sflag:s17] =	ssyncadd.s32 $0xFFFFC000  }
0x104: {  	_ =	swait.ge [sflag:s18], $0x4000  }
0x105: {  	[sflag:s18] =	ssyncset.done $0x0  }
0x106: {  	[sflag:s18] =	ssyncadd.s32 $0xFFFFC000  }
0x107: {  	[spmem:s2] =	stream.indirect.scatter.add.f32 [tilespmem:s16], [sflag:$0x4], $0x80, s1, s13, $0xb8;
	[tilespmem:$0x1C400] =	vst v63  }
0x108: {  	_ =	swait.ge [sflag:s21], $0x4000  }
0x109: {  	[sflag:s21] =	ssyncset.done $0x0  }
0x10a: {  	[sflag:s21] =	ssyncadd.s32 $0xFFFFC000  }
0x10b: {  	[bflag:$0x0] =	sbarrier.arrive $0xFFFF  }
0x10c: {  	s7 =	rddreg [dreg:$0x5]  }
0x10d: {  	s8 =	rddreg [dreg:$0x6]  }
0x10e: {  	s6 =	rddreg [dreg:$0x8]  }
0x10f: {  	[hbm:s8], [sflag:s7] =	dma.local [spmem:s6], $0x2780  }
0x110: {  	_ =	swait.ge [sflag:s11], $0x2780  }
0x111: {  	s8 =	rddreg [dreg:$0x9]  }
0x112: {  	s10 =	rddreg [dreg:$0x7];
	s8 =	sadd.s32 $0x1, s8  }
0x113: {  	p0 =	sne.s32 s8, s10  }
.Ltmp1:
0x114: {  	_ = 	snop;
	(pc) =	sbr.rel @p0 .LBB2_1-.Ltmp1, $3  }
0x115: {  	_ =	sdelay $0x1  }
0x116: {  	[sflag:s11] =	ssyncset.done $0x0  }
0x117: {  	[sflag:s11] =	ssyncadd.s32 $0xFFFFD880  }
0x118: {  	_ =	sfence.sel $0x180000  }
0x119: {  	[bflag:$0x0] =	sbarrier.arrive $0xFFFF  }
0x11a: {  	_ =	strace $0x9000004A  }
0x11b: {  	s0 =	stileid.u32;
	[bflag:$0x2] =	sbarrier.arrive $0xFFFF  }
0x11c: {  	p0 =	sne.s32 s0, $0x0;
	s0 =	rddreg [dreg:$0x2]  }
0x11d: {  	s0 =	sadd.s32 @!p0 $0x100000, s0  }
0x11e: {  	[sflag:s0] =	ssyncadd.tile.s32 @!p0 $0x1;
	_ =	shalt  }
.Lfunc_end2:
_tile_overlayer_lowered:
.L_overlay_start_2:
0x11f: {  	(tag) =	ssettag $0x2  }
0x120: {  	s0 =	rddreg [dreg:$0x0];
	s2 =	stileid.u32  }
0x121: {  	s1 =	rddreg [dreg:$0x1];
	p0 =	sne.s32 s2, $0x0  }
0x122: {  	s3 =	rddreg [dreg:$0x2];
	[bflag:$0x3] =	sbarrier.arrive $0xFFFF;
	s2 =	simm.s32 @!p0 $0x1C05  }
0x123: {  	[timem:s3], [sflag:s2] =	dma.local @!p0 [hbm:s0], s1  }
0x124: {  	s0 =	simm.s32 @!p0 $0x5  }
0x125: {  	_ =	swait.ge @!p0 [sflag:s0], s1  }
0x126: {  	s1 =	ssub.s32 @!p0 $0x0, s1;
	[sflag:s0] =	ssyncset.done @!p0 $0x0  }
0x127: {  	[sflag:s0] =	ssyncadd.s32 @!p0 s1  }
0x128: {  	[bflag:$0x3] =	sbarrier.arrive $0xFFFF  }
0x129: {  	_ =	shalt  }

</sc_bundles>
